<compile_context>
chip_gen: v7x
topology: tpu7x:2x2x1
jax: 0.10.2.dev20260603
libtpu: 0.0.44.dev20260713+nightly
codegen_flags: <defaults>
</compile_context>

<pallas_src>
import functools
import math

import jax
import jax.numpy as jnp
from jax import lax
from jax.experimental import pallas as pl
from jax.experimental.pallas import tpu as pltpu
from jax.experimental.pallas import tpu_sc as plsc

_NC = 2
_NS = 16
_NW = _NC * _NS
_LANES = 128
_K = 8


def _make_gather(V, D, B):
    assert B % (_NW * _LANES) == 0
    rows_idx = B // _LANES
    per_w = rows_idx // _NW
    k = _K
    assert per_w % (2 * k) == 0
    nchunks = per_w // k
    half = nchunks // 2
    C = k * _LANES
    scale = float(math.sqrt(float(D)))
    mesh = plsc.VectorSubcoreMesh(core_axis_name="c", subcore_axis_name="s")

    @functools.partial(
        pl.kernel,
        mesh=mesh,
        compiler_params=pltpu.CompilerParams(use_tc_tiling_on_sc=False),
        out_type=jax.ShapeDtypeStruct((B, D), jnp.float32),
        scratch_types=[
            pltpu.VMEM((k, _LANES), jnp.int32),
            pltpu.VMEM((k, _LANES), jnp.int32),
            pltpu.VMEM((C, D), jnp.float32),
            pltpu.VMEM((C, D), jnp.float32),
            pltpu.SemaphoreType.DMA,
            pltpu.SemaphoreType.DMA,
            pltpu.SemaphoreType.DMA,
            pltpu.SemaphoreType.DMA,
        ],
    )
    def gath(table_hbm, idx_hbm, out_hbm, idx0, idx1, rows0, rows1,
             g0, g1, s0, s1):
        wid = lax.axis_index("s") * _NC + lax.axis_index("c")
        idxs = (idx0, idx1)
        rowss = (rows0, rows1)
        gsem = (g0, g1)
        ssem = (s0, s1)

        def fire_gather(g, b):
            row0 = wid * per_w + g * k
            pltpu.sync_copy(idx_hbm.at[pl.ds(row0, k)], idxs[b])
            for j in range(k):
                pltpu.async_copy(
                    table_hbm.at[idxs[b].at[j]],
                    rowss[b].at[pl.ds(j * _LANES, _LANES)],
                    gsem[b],
                )

        def drain_gather(b):
            for j in range(k):
                pltpu.make_async_copy(
                    table_hbm.at[idxs[b].at[j]],
                    rowss[b].at[pl.ds(j * _LANES, _LANES)],
                    gsem[b],
                ).wait()

        def fire_store(g, b):
            base = (wid * per_w + g * k) * _LANES
            pltpu.async_copy(rowss[b], out_hbm.at[pl.ds(base, C)], ssem[b])

        def drain_store(b):
            pltpu.make_async_copy(rowss[b], out_hbm.at[pl.ds(0, C)],
                                  ssem[b]).wait()

        fire_gather(0, 0)

        def body(i, carry):
            c0 = 2 * i
            c1 = c0 + 1

            @pl.when(i > 0)
            def _():
                drain_store(1)

            fire_gather(c1, 1)
            drain_gather(0)
            fire_store(c0, 0)

            @pl.when(i + 1 < half)
            def _():
                drain_store(0)
                fire_gather(c0 + 2, 0)

            drain_gather(1)
            fire_store(c1, 1)
            return carry

        lax.fori_loop(0, half, body, 0)
        drain_store(0)
        drain_store(1)

    return gath


def _prescale_transpose(tbT, scale, block_cols=8192):
    Dd, V = tbT.shape

    def body(i_ref, o_ref):
        o_ref[...] = i_ref[...].T * scale

    return pl.pallas_call(
        body,
        grid=((V + block_cols - 1) // block_cols,),
        in_specs=[pl.BlockSpec((Dd, block_cols), lambda i: (0, i))],
        out_specs=pl.BlockSpec((block_cols, Dd), lambda i: (i, 0)),
        out_shape=jax.ShapeDtypeStruct((V, Dd), jnp.float32),
    )(tbT)


def kernel(x, table):
    V, D = table.shape
    B = x.size
    scale = float(math.sqrt(float(D)))
    tb = _prescale_transpose(jnp.transpose(table), scale)
    xi = x.reshape(-1).astype(jnp.int32).reshape(B // _LANES, _LANES)
    out = _make_gather(V, D, B)(tb, xi)
    return out.reshape(*x.shape, D)

# --- scband reference (transcript-rebuilt; emitter-appended) ---
"""Pipeline reference for scband-embedding-24086176596052 (READ-ONLY COPY).

The authoritative reference and input builder live on the scoring server;
editing this copy changes nothing except your own understanding.
"""

import jax, jax.numpy as jnp
import numpy as np

VOCAB = 1000000
DIM = 32

def setup_inputs(seed: int = 0) -> dict:
    key = jax.random.key(seed)
    k1, k2 = jax.random.split(key)
    x = jax.random.randint(k1, (16384, 200), 0, VOCAB, dtype=jnp.int64)
    table = jax.random.normal(k2, (VOCAB, DIM), dtype=jnp.float32)
    return {"x": x, "table": table}

def reference(x, table):
    # nn.Embedding lookup followed by scaling with sqrt(dim)
    emb = jnp.take(table, x, axis=0)
    return emb * np.sqrt(DIM)

if __name__ == "__main__":
    import jax
    _d = setup_inputs()
    print(jax.jit(kernel)(*tuple(_d.values())))

</pallas_src>

<mosaic_0001>
#map = affine_map<(d0, d1) -> (0, 0)>
module attributes {stable_mosaic.version = 14 : i64} {
  func.func @gath(%arg0: i32, %arg1: i32, %arg2: memref<1000000x32xf32, #tpu.memory_space<hbm>>, %arg3: memref<25600x128xi32, #tpu.memory_space<hbm>>, %arg4: memref<3276800x32xf32, #tpu.memory_space<hbm>>, %arg5: memref<8x128xi32, #tpu.memory_space<vmem>>, %arg6: memref<8x128xi32, #tpu.memory_space<vmem>>, %arg7: memref<1024x32xf32, #tpu.memory_space<vmem>>, %arg8: memref<1024x32xf32, #tpu.memory_space<vmem>>, %arg9: memref<!tpu.dma_semaphore, #tpu.memory_space<semaphore_mem>>, %arg10: memref<!tpu.dma_semaphore, #tpu.memory_space<semaphore_mem>>, %arg11: memref<!tpu.dma_semaphore, #tpu.memory_space<semaphore_mem>>, %arg12: memref<!tpu.dma_semaphore, #tpu.memory_space<semaphore_mem>>) attributes {dimension_semantics = [#tpu.dimension_semantics<core_parallel>, #tpu.dimension_semantics<subcore_parallel>], iteration_bounds = array<i64: 2, 16>, scalar_prefetch = 0 : i64, scratch_operands = 8 : i64, tpu.core_type = #tpu.core_type<sc_vector_subcore>, window_params = [{transform_indices = #map}, {transform_indices = #map}, {transform_indices = #map}]} {
    %mul3A = arith.constant 2 : i32
    %mul3A_0 = arith.muli %arg1, %mul3A : i32
    %add3A = arith.addi %mul3A_0, %arg0 : i32
    %mul3A_1 = arith.constant 800 : i32
    %mul3A_2 = arith.muli %add3A, %mul3A_1 : i32
    %add3A_3 = arith.constant 0 : i32
    %add3A_4 = arith.addi %mul3A_2, %add3A_3 : i32
    "tpu.region"() ({
      %run_scoped3A = tpu.sem_alloc : memref<!tpu.dma_semaphore, #tpu.memory_space<semaphore_mem>>
      %dma_start3A_100 = arith.constant 0 : i32
      %dma_start3A_101 = tpu.memref_slice %arg3[%add3A_4, %dma_start3A_100] : memref<25600x128xi32, #tpu.memory_space<hbm>> -> memref<8x128xi32, #tpu.memory_space<hbm>>
      %dma_start3A_102 = arith.constant 0 : i32
      %dma_start3A_103 = tpu.memref_slice %arg3[%add3A_4, %dma_start3A_102] : memref<25600x128xi32, #tpu.memory_space<hbm>> -> memref<8x128xi32, #tpu.memory_space<hbm>>
      tpu.enqueue_dma source(%dma_start3A_103 : memref<8x128xi32, #tpu.memory_space<hbm>>) target(%arg5 : memref<8x128xi32, #tpu.memory_space<vmem>>) target_semaphore(%run_scoped3A : memref<!tpu.dma_semaphore, #tpu.memory_space<semaphore_mem>>)
      %dma_wait3A_104 = arith.constant 0 : i32
      %dma_wait3A_105 = tpu.memref_slice %arg3[%add3A_4, %dma_wait3A_104] : memref<25600x128xi32, #tpu.memory_space<hbm>> -> memref<8x128xi32, #tpu.memory_space<hbm>>
      %dma_wait3A_106 = arith.constant 0 : i32
      %dma_wait3A_107 = tpu.memref_slice %arg3[%add3A_4, %dma_wait3A_106] : memref<25600x128xi32, #tpu.memory_space<hbm>> -> memref<8x128xi32, #tpu.memory_space<hbm>>
      tpu.wait_dma2 semaphore(%run_scoped3A : memref<!tpu.dma_semaphore, #tpu.memory_space<semaphore_mem>>) src(%dma_wait3A_107 : memref<8x128xi32, #tpu.memory_space<hbm>>) dst(%arg5 : memref<8x128xi32, #tpu.memory_space<vmem>>)
      tpu.yield
    }) : () -> ()
    %dma_start3A = arith.constant 0 : i32
    %dma_start3A_5 = arith.constant 0 : i32
    %dma_start3A_6 = arith.constant 0 : i32
    %dma_start3A_7 = tpu.memref_slice %arg7[%dma_start3A_5, %dma_start3A_6] : memref<1024x32xf32, #tpu.memory_space<vmem>> -> memref<128x32xf32, #tpu.memory_space<vmem>>
    %dma_start3A_8 = arith.constant 0 : i32
    %dma_start3A_9 = tpu.memref_slice %arg5[%dma_start3A, %dma_start3A_8] : memref<8x128xi32, #tpu.memory_space<vmem>> -> memref<1x128xi32, #tpu.memory_space<vmem>>
    %dma_start3A_10 = tpu.memref_squeeze %dma_start3A_9 : memref<1x128xi32, #tpu.memory_space<vmem>> -> memref<128xi32, #tpu.memory_space<vmem>>
    %dma_start3A_11 = arith.constant 0 : i32
    %dma_start3A_12 = arith.constant 0 : i32
    %dma_start3A_13 = tpu.memref_slice %arg2[%dma_start3A_11, %dma_start3A_12] : memref<1000000x32xf32, #tpu.memory_space<hbm>> -> memref<1000000x32xf32, #tpu.memory_space<hbm>>
    tpu.enqueue_indirect_dma source(%dma_start3A_13 : memref<1000000x32xf32, #tpu.memory_space<hbm>>) target(%dma_start3A_7 : memref<128x32xf32, #tpu.memory_space<vmem>>) offsets(%dma_start3A_10 : memref<128xi32, #tpu.memory_space<vmem>>) semaphore(%arg9 : memref<!tpu.dma_semaphore, #tpu.memory_space<semaphore_mem>>)
    %dma_start3A_14 = arith.constant 1 : i32
    %dma_start3A_15 = arith.constant 128 : i32
    %dma_start3A_16 = arith.constant 0 : i32
    %dma_start3A_17 = tpu.memref_slice %arg7[%dma_start3A_15, %dma_start3A_16] : memref<1024x32xf32, #tpu.memory_space<vmem>> -> memref<128x32xf32, #tpu.memory_space<vmem>>
    %dma_start3A_18 = arith.constant 0 : i32
    %dma_start3A_19 = tpu.memref_slice %arg5[%dma_start3A_14, %dma_start3A_18] : memref<8x128xi32, #tpu.memory_space<vmem>> -> memref<1x128xi32, #tpu.memory_space<vmem>>
    %dma_start3A_20 = tpu.memref_squeeze %dma_start3A_19 : memref<1x128xi32, #tpu.memory_space<vmem>> -> memref<128xi32, #tpu.memory_space<vmem>>
    %dma_start3A_21 = arith.constant 0 : i32
    %dma_start3A_22 = arith.constant 0 : i32
    %dma_start3A_23 = tpu.memref_slice %arg2[%dma_start3A_21, %dma_start3A_22] : memref<1000000x32xf32, #tpu.memory_space<hbm>> -> memref<1000000x32xf32, #tpu.memory_space<hbm>>
    tpu.enqueue_indirect_dma source(%dma_start3A_23 : memref<1000000x32xf32, #tpu.memory_space<hbm>>) target(%dma_start3A_17 : memref<128x32xf32, #tpu.memory_space<vmem>>) offsets(%dma_start3A_20 : memref<128xi32, #tpu.memory_space<vmem>>) semaphore(%arg9 : memref<!tpu.dma_semaphore, #tpu.memory_space<semaphore_mem>>)
    %dma_start3A_24 = arith.constant 2 : i32
    %dma_start3A_25 = arith.constant 256 : i32
    %dma_start3A_26 = arith.constant 0 : i32
    %dma_start3A_27 = tpu.memref_slice %arg7[%dma_start3A_25, %dma_start3A_26] : memref<1024x32xf32, #tpu.memory_space<vmem>> -> memref<128x32xf32, #tpu.memory_space<vmem>>
    %dma_start3A_28 = arith.constant 0 : i32
    %dma_start3A_29 = tpu.memref_slice %arg5[%dma_start3A_24, %dma_start3A_28] : memref<8x128xi32, #tpu.memory_space<vmem>> -> memref<1x128xi32, #tpu.memory_space<vmem>>
    %dma_start3A_30 = tpu.memref_squeeze %dma_start3A_29 : memref<1x128xi32, #tpu.memory_space<vmem>> -> memref<128xi32, #tpu.memory_space<vmem>>
    %dma_start3A_31 = arith.constant 0 : i32
    %dma_start3A_32 = arith.constant 0 : i32
    %dma_start3A_33 = tpu.memref_slice %arg2[%dma_start3A_31, %dma_start3A_32] : memref<1000000x32xf32, #tpu.memory_space<hbm>> -> memref<1000000x32xf32, #tpu.memory_space<hbm>>
    tpu.enqueue_indirect_dma source(%dma_start3A_33 : memref<1000000x32xf32, #tpu.memory_space<hbm>>) target(%dma_start3A_27 : memref<128x32xf32, #tpu.memory_space<vmem>>) offsets(%dma_start3A_30 : memref<128xi32, #tpu.memory_space<vmem>>) semaphore(%arg9 : memref<!tpu.dma_semaphore, #tpu.memory_space<semaphore_mem>>)
    %dma_start3A_34 = arith.constant 3 : i32
    %dma_start3A_35 = arith.constant 384 : i32
    %dma_start3A_36 = arith.constant 0 : i32
    %dma_start3A_37 = tpu.memref_slice %arg7[%dma_start3A_35, %dma_start3A_36] : memref<1024x32xf32, #tpu.memory_space<vmem>> -> memref<128x32xf32, #tpu.memory_space<vmem>>
    %dma_start3A_38 = arith.constant 0 : i32
    %dma_start3A_39 = tpu.memref_slice %arg5[%dma_start3A_34, %dma_start3A_38] : memref<8x128xi32, #tpu.memory_space<vmem>> -> memref<1x128xi32, #tpu.memory_space<vmem>>
    %dma_start3A_40 = tpu.memref_squeeze %dma_start3A_39 : memref<1x128xi32, #tpu.memory_space<vmem>> -> memref<128xi32, #tpu.memory_space<vmem>>
    %dma_start3A_41 = arith.constant 0 : i32
    %dma_start3A_42 = arith.constant 0 : i32
    %dma_start3A_43 = tpu.memref_slice %arg2[%dma_start3A_41, %dma_start3A_42] : memref<1000000x32xf32, #tpu.memory_space<hbm>> -> memref<1000000x32xf32, #tpu.memory_space<hbm>>
    tpu.enqueue_indirect_dma source(%dma_start3A_43 : memref<1000000x32xf32, #tpu.memory_space<hbm>>) target(%dma_start3A_37 : memref<128x32xf32, #tpu.memory_space<vmem>>) offsets(%dma_start3A_40 : memref<128xi32, #tpu.memory_space<vmem>>) semaphore(%arg9 : memref<!tpu.dma_semaphore, #tpu.memory_space<semaphore_mem>>)
    %dma_start3A_44 = arith.constant 4 : i32
    %dma_start3A_45 = arith.constant 512 : i32
    %dma_start3A_46 = arith.constant 0 : i32
    %dma_start3A_47 = tpu.memref_slice %arg7[%dma_start3A_45, %dma_start3A_46] : memref<1024x32xf32, #tpu.memory_space<vmem>> -> memref<128x32xf32, #tpu.memory_space<vmem>>
    %dma_start3A_48 = arith.constant 0 : i32
    %dma_start3A_49 = tpu.memref_slice %arg5[%dma_start3A_44, %dma_start3A_48] : memref<8x128xi32, #tpu.memory_space<vmem>> -> memref<1x128xi32, #tpu.memory_space<vmem>>
    %dma_start3A_50 = tpu.memref_squeeze %dma_start3A_49 : memref<1x128xi32, #tpu.memory_space<vmem>> -> memref<128xi32, #tpu.memory_space<vmem>>
    %dma_start3A_51 = arith.constant 0 : i32
    %dma_start3A_52 = arith.constant 0 : i32
    %dma_start3A_53 = tpu.memref_slice %arg2[%dma_start3A_51, %dma_start3A_52] : memref<1000000x32xf32, #tpu.memory_space<hbm>> -> memref<1000000x32xf32, #tpu.memory_space<hbm>>
    tpu.enqueue_indirect_dma source(%dma_start3A_53 : memref<1000000x32xf32, #tpu.memory_space<hbm>>) target(%dma_start3A_47 : memref<128x32xf32, #tpu.memory_space<vmem>>) offsets(%dma_start3A_50 : memref<128xi32, #tpu.memory_space<vmem>>) semaphore(%arg9 : memref<!tpu.dma_semaphore, #tpu.memory_space<semaphore_mem>>)
    %dma_start3A_54 = arith.constant 5 : i32
    %dma_start3A_55 = arith.constant 640 : i32
    %dma_start3A_56 = arith.constant 0 : i32
    %dma_start3A_57 = tpu.memref_slice %arg7[%dma_start3A_55, %dma_start3A_56] : memref<1024x32xf32, #tpu.memory_space<vmem>> -> memref<128x32xf32, #tpu.memory_space<vmem>>
    %dma_start3A_58 = arith.constant 0 : i32
    %dma_start3A_59 = tpu.memref_slice %arg5[%dma_start3A_54, %dma_start3A_58] : memref<8x128xi32, #tpu.memory_space<vmem>> -> memref<1x128xi32, #tpu.memory_space<vmem>>
    %dma_start3A_60 = tpu.memref_squeeze %dma_start3A_59 : memref<1x128xi32, #tpu.memory_space<vmem>> -> memref<128xi32, #tpu.memory_space<vmem>>
    %dma_start3A_61 = arith.constant 0 : i32
    %dma_start3A_62 = arith.constant 0 : i32
    %dma_start3A_63 = tpu.memref_slice %arg2[%dma_start3A_61, %dma_start3A_62] : memref<1000000x32xf32, #tpu.memory_space<hbm>> -> memref<1000000x32xf32, #tpu.memory_space<hbm>>
    tpu.enqueue_indirect_dma source(%dma_start3A_63 : memref<1000000x32xf32, #tpu.memory_space<hbm>>) target(%dma_start3A_57 : memref<128x32xf32, #tpu.memory_space<vmem>>) offsets(%dma_start3A_60 : memref<128xi32, #tpu.memory_space<vmem>>) semaphore(%arg9 : memref<!tpu.dma_semaphore, #tpu.memory_space<semaphore_mem>>)
    %dma_start3A_64 = arith.constant 6 : i32
    %dma_start3A_65 = arith.constant 768 : i32
    %dma_start3A_66 = arith.constant 0 : i32
    %dma_start3A_67 = tpu.memref_slice %arg7[%dma_start3A_65, %dma_start3A_66] : memref<1024x32xf32, #tpu.memory_space<vmem>> -> memref<128x32xf32, #tpu.memory_space<vmem>>
    %dma_start3A_68 = arith.constant 0 : i32
    %dma_start3A_69 = tpu.memref_slice %arg5[%dma_start3A_64, %dma_start3A_68] : memref<8x128xi32, #tpu.memory_space<vmem>> -> memref<1x128xi32, #tpu.memory_space<vmem>>
    %dma_start3A_70 = tpu.memref_squeeze %dma_start3A_69 : memref<1x128xi32, #tpu.memory_space<vmem>> -> memref<128xi32, #tpu.memory_space<vmem>>
    %dma_start3A_71 = arith.constant 0 : i32
    %dma_start3A_72 = arith.constant 0 : i32
    %dma_start3A_73 = tpu.memref_slice %arg2[%dma_start3A_71, %dma_start3A_72] : memref<1000000x32xf32, #tpu.memory_space<hbm>> -> memref<1000000x32xf32, #tpu.memory_space<hbm>>
    tpu.enqueue_indirect_dma source(%dma_start3A_73 : memref<1000000x32xf32, #tpu.memory_space<hbm>>) target(%dma_start3A_67 : memref<128x32xf32, #tpu.memory_space<vmem>>) offsets(%dma_start3A_70 : memref<128xi32, #tpu.memory_space<vmem>>) semaphore(%arg9 : memref<!tpu.dma_semaphore, #tpu.memory_space<semaphore_mem>>)
    %dma_start3A_74 = arith.constant 7 : i32
    %dma_start3A_75 = arith.constant 896 : i32
    %dma_start3A_76 = arith.constant 0 : i32
    %dma_start3A_77 = tpu.memref_slice %arg7[%dma_start3A_75, %dma_start3A_76] : memref<1024x32xf32, #tpu.memory_space<vmem>> -> memref<128x32xf32, #tpu.memory_space<vmem>>
    %dma_start3A_78 = arith.constant 0 : i32
    %dma_start3A_79 = tpu.memref_slice %arg5[%dma_start3A_74, %dma_start3A_78] : memref<8x128xi32, #tpu.memory_space<vmem>> -> memref<1x128xi32, #tpu.memory_space<vmem>>
    %dma_start3A_80 = tpu.memref_squeeze %dma_start3A_79 : memref<1x128xi32, #tpu.memory_space<vmem>> -> memref<128xi32, #tpu.memory_space<vmem>>
    %dma_start3A_81 = arith.constant 0 : i32
    %dma_start3A_82 = arith.constant 0 : i32
    %dma_start3A_83 = tpu.memref_slice %arg2[%dma_start3A_81, %dma_start3A_82] : memref<1000000x32xf32, #tpu.memory_space<hbm>> -> memref<1000000x32xf32, #tpu.memory_space<hbm>>
    tpu.enqueue_indirect_dma source(%dma_start3A_83 : memref<1000000x32xf32, #tpu.memory_space<hbm>>) target(%dma_start3A_77 : memref<128x32xf32, #tpu.memory_space<vmem>>) offsets(%dma_start3A_80 : memref<128xi32, #tpu.memory_space<vmem>>) semaphore(%arg9 : memref<!tpu.dma_semaphore, #tpu.memory_space<semaphore_mem>>)
    %scan3A = arith.constant 0 : i32
    %scan3A_84 = arith.constant 0 : i32
    %scan3A_85 = arith.constant 50 : i32
    %scan3A_86 = arith.addi %scan3A_84, %scan3A_85 : i32
    %scan3A_87 = arith.constant 1 : i32
    scf.for %scan3A_100 = %scan3A_84 to %scan3A_86 step %scan3A_87  : i32 {
      %mul3A_101 = arith.constant 2 : i32
      %mul3A_102 = arith.muli %mul3A_101, %scan3A_100 : i32
      %add3A_103 = arith.constant 1 : i32
      %add3A_104 = arith.addi %mul3A_102, %add3A_103 : i32
      %gt3A = arith.constant 0 : i32
      %gt3A_105 = arith.cmpi sgt, %scan3A_100, %gt3A : i32
      %convert_element_type3A = arith.extui %gt3A_105 : i1 to i32
      %cond3A = arith.constant 0 : i32
      %cond3A_106 = arith.cmpi ne, %convert_element_type3A, %cond3A : i32
      scf.if %cond3A_106 {
        %dma_wait3A_380 = arith.constant 0 : i32
        %dma_wait3A_381 = arith.constant 0 : i32
        %dma_wait3A_382 = tpu.memref_slice %arg4[%dma_wait3A_380, %dma_wait3A_381] : memref<3276800x32xf32, #tpu.memory_space<hbm>> -> memref<1024x32xf32, #tpu.memory_space<hbm>>
        %dma_wait3A_383 = arith.constant 0 : i32
        %dma_wait3A_384 = arith.constant 0 : i32
        %dma_wait3A_385 = tpu.memref_slice %arg4[%dma_wait3A_383, %dma_wait3A_384] : memref<3276800x32xf32, #tpu.memory_space<hbm>> -> memref<1024x32xf32, #tpu.memory_space<hbm>>
        tpu.wait_dma2 semaphore(%arg12 : memref<!tpu.dma_semaphore, #tpu.memory_space<semaphore_mem>>) src(%arg8 : memref<1024x32xf32, #tpu.memory_space<vmem>>) dst(%dma_wait3A_385 : memref<1024x32xf32, #tpu.memory_space<hbm>>)
      } else {
      }
      %mul3A_107 = arith.constant 800 : i32
      %mul3A_108 = arith.muli %add3A, %mul3A_107 : i32
      %mul3A_109 = arith.constant 8 : i32
      %mul3A_110 = arith.muli %add3A_104, %mul3A_109 : i32
      %add3A_111 = arith.addi %mul3A_108, %mul3A_110 : i32
      "tpu.region"() ({
        %run_scoped3A = tpu.sem_alloc : memref<!tpu.dma_semaphore, #tpu.memory_space<semaphore_mem>>
        %dma_start3A_380 = arith.constant 0 : i32
        %dma_start3A_381 = tpu.memref_slice %arg3[%add3A_111, %dma_start3A_380] : memref<25600x128xi32, #tpu.memory_space<hbm>> -> memref<8x128xi32, #tpu.memory_space<hbm>>
        %dma_start3A_382 = arith.constant 0 : i32
        %dma_start3A_383 = tpu.memref_slice %arg3[%add3A_111, %dma_start3A_382] : memref<25600x128xi32, #tpu.memory_space<hbm>> -> memref<8x128xi32, #tpu.memory_space<hbm>>
        tpu.enqueue_dma source(%dma_start3A_383 : memref<8x128xi32, #tpu.memory_space<hbm>>) target(%arg6 : memref<8x128xi32, #tpu.memory_space<vmem>>) target_semaphore(%run_scoped3A : memref<!tpu.dma_semaphore, #tpu.memory_space<semaphore_mem>>)
        %dma_wait3A_384 = arith.constant 0 : i32
        %dma_wait3A_385 = tpu.memref_slice %arg3[%add3A_111, %dma_wait3A_384] : memref<25600x128xi32, #tpu.memory_space<hbm>> -> memref<8x128xi32, #tpu.memory_space<hbm>>
        %dma_wait3A_386 = arith.constant 0 : i32
        %dma_wait3A_387 = tpu.memref_slice %arg3[%add3A_111, %dma_wait3A_386] : memref<25600x128xi32, #tpu.memory_space<hbm>> -> memref<8x128xi32, #tpu.memory_space<hbm>>
        tpu.wait_dma2 semaphore(%run_scoped3A : memref<!tpu.dma_semaphore, #tpu.memory_space<semaphore_mem>>) src(%dma_wait3A_387 : memref<8x128xi32, #tpu.memory_space<hbm>>) dst(%arg6 : memref<8x128xi32, #tpu.memory_space<vmem>>)
        tpu.yield
      }) : () -> ()
      %dma_start3A_112 = arith.constant 0 : i32
      %dma_start3A_113 = arith.constant 0 : i32
      %dma_start3A_114 = arith.constant 0 : i32
      %dma_start3A_115 = tpu.memref_slice %arg8[%dma_start3A_113, %dma_start3A_114] : memref<1024x32xf32, #tpu.memory_space<vmem>> -> memref<128x32xf32, #tpu.memory_space<vmem>>
      %dma_start3A_116 = arith.constant 0 : i32
      %dma_start3A_117 = tpu.memref_slice %arg6[%dma_start3A_112, %dma_start3A_116] : memref<8x128xi32, #tpu.memory_space<vmem>> -> memref<1x128xi32, #tpu.memory_space<vmem>>
      %dma_start3A_118 = tpu.memref_squeeze %dma_start3A_117 : memref<1x128xi32, #tpu.memory_space<vmem>> -> memref<128xi32, #tpu.memory_space<vmem>>
      %dma_start3A_119 = arith.constant 0 : i32
      %dma_start3A_120 = arith.constant 0 : i32
      %dma_start3A_121 = tpu.memref_slice %arg2[%dma_start3A_119, %dma_start3A_120] : memref<1000000x32xf32, #tpu.memory_space<hbm>> -> memref<1000000x32xf32, #tpu.memory_space<hbm>>
      tpu.enqueue_indirect_dma source(%dma_start3A_121 : memref<1000000x32xf32, #tpu.memory_space<hbm>>) target(%dma_start3A_115 : memref<128x32xf32, #tpu.memory_space<vmem>>) offsets(%dma_start3A_118 : memref<128xi32, #tpu.memory_space<vmem>>) semaphore(%arg10 : memref<!tpu.dma_semaphore, #tpu.memory_space<semaphore_mem>>)
      %dma_start3A_122 = arith.constant 1 : i32
      %dma_start3A_123 = arith.constant 128 : i32
      %dma_start3A_124 = arith.constant 0 : i32
      %dma_start3A_125 = tpu.memref_slice %arg8[%dma_start3A_123, %dma_start3A_124] : memref<1024x32xf32, #tpu.memory_space<vmem>> -> memref<128x32xf32, #tpu.memory_space<vmem>>
      %dma_start3A_126 = arith.constant 0 : i32
      %dma_start3A_127 = tpu.memref_slice %arg6[%dma_start3A_122, %dma_start3A_126] : memref<8x128xi32, #tpu.memory_space<vmem>> -> memref<1x128xi32, #tpu.memory_space<vmem>>
      %dma_start3A_128 = tpu.memref_squeeze %dma_start3A_127 : memref<1x128xi32, #tpu.memory_space<vmem>> -> memref<128xi32, #tpu.memory_space<vmem>>
      %dma_start3A_129 = arith.constant 0 : i32
      %dma_start3A_130 = arith.constant 0 : i32
      %dma_start3A_131 = tpu.memref_slice %arg2[%dma_start3A_129, %dma_start3A_130] : memref<1000000x32xf32, #tpu.memory_space<hbm>> -> memref<1000000x32xf32, #tpu.memory_space<hbm>>
      tpu.enqueue_indirect_dma source(%dma_start3A_131 : memref<1000000x32xf32, #tpu.memory_space<hbm>>) target(%dma_start3A_125 : memref<128x32xf32, #tpu.memory_space<vmem>>) offsets(%dma_start3A_128 : memref<128xi32, #tpu.memory_space<vmem>>) semaphore(%arg10 : memref<!tpu.dma_semaphore, #tpu.memory_space<semaphore_mem>>)
      %dma_start3A_132 = arith.constant 2 : i32
      %dma_start3A_133 = arith.constant 256 : i32
      %dma_start3A_134 = arith.constant 0 : i32
      %dma_start3A_135 = tpu.memref_slice %arg8[%dma_start3A_133, %dma_start3A_134] : memref<1024x32xf32, #tpu.memory_space<vmem>> -> memref<128x32xf32, #tpu.memory_space<vmem>>
      %dma_start3A_136 = arith.constant 0 : i32
      %dma_start3A_137 = tpu.memref_slice %arg6[%dma_start3A_132, %dma_start3A_136] : memref<8x128xi32, #tpu.memory_space<vmem>> -> memref<1x128xi32, #tpu.memory_space<vmem>>
      %dma_start3A_138 = tpu.memref_squeeze %dma_start3A_137 : memref<1x128xi32, #tpu.memory_space<vmem>> -> memref<128xi32, #tpu.memory_space<vmem>>
      %dma_start3A_139 = arith.constant 0 : i32
      %dma_start3A_140 = arith.constant 0 : i32
      %dma_start3A_141 = tpu.memref_slice %arg2[%dma_start3A_139, %dma_start3A_140] : memref<1000000x32xf32, #tpu.memory_space<hbm>> -> memref<1000000x32xf32, #tpu.memory_space<hbm>>
      tpu.enqueue_indirect_dma source(%dma_start3A_141 : memref<1000000x32xf32, #tpu.memory_space<hbm>>) target(%dma_start3A_135 : memref<128x32xf32, #tpu.memory_space<vmem>>) offsets(%dma_start3A_138 : memref<128xi32, #tpu.memory_space<vmem>>) semaphore(%arg10 : memref<!tpu.dma_semaphore, #tpu.memory_space<semaphore_mem>>)
      %dma_start3A_142 = arith.constant 3 : i32
      %dma_start3A_143 = arith.constant 384 : i32
      %dma_start3A_144 = arith.constant 0 : i32
      %dma_start3A_145 = tpu.memref_slice %arg8[%dma_start3A_143, %dma_start3A_144] : memref<1024x32xf32, #tpu.memory_space<vmem>> -> memref<128x32xf32, #tpu.memory_space<vmem>>
      %dma_start3A_146 = arith.constant 0 : i32
      %dma_start3A_147 = tpu.memref_slice %arg6[%dma_start3A_142, %dma_start3A_146] : memref<8x128xi32, #tpu.memory_space<vmem>> -> memref<1x128xi32, #tpu.memory_space<vmem>>
      %dma_start3A_148 = tpu.memref_squeeze %dma_start3A_147 : memref<1x128xi32, #tpu.memory_space<vmem>> -> memref<128xi32, #tpu.memory_space<vmem>>
      %dma_start3A_149 = arith.constant 0 : i32
      %dma_start3A_150 = arith.constant 0 : i32
      %dma_start3A_151 = tpu.memref_slice %arg2[%dma_start3A_149, %dma_start3A_150] : memref<1000000x32xf32, #tpu.memory_space<hbm>> -> memref<1000000x32xf32, #tpu.memory_space<hbm>>
      tpu.enqueue_indirect_dma source(%dma_start3A_151 : memref<1000000x32xf32, #tpu.memory_space<hbm>>) target(%dma_start3A_145 : memref<128x32xf32, #tpu.memory_space<vmem>>) offsets(%dma_start3A_148 : memref<128xi32, #tpu.memory_space<vmem>>) semaphore(%arg10 : memref<!tpu.dma_semaphore, #tpu.memory_space<semaphore_mem>>)
      %dma_start3A_152 = arith.constant 4 : i32
      %dma_start3A_153 = arith.constant 512 : i32
      %dma_start3A_154 = arith.constant 0 : i32
      %dma_start3A_155 = tpu.memref_slice %arg8[%dma_start3A_153, %dma_start3A_154] : memref<1024x32xf32, #tpu.memory_space<vmem>> -> memref<128x32xf32, #tpu.memory_space<vmem>>
      %dma_start3A_156 = arith.constant 0 : i32
      %dma_start3A_157 = tpu.memref_slice %arg6[%dma_start3A_152, %dma_start3A_156] : memref<8x128xi32, #tpu.memory_space<vmem>> -> memref<1x128xi32, #tpu.memory_space<vmem>>
      %dma_start3A_158 = tpu.memref_squeeze %dma_start3A_157 : memref<1x128xi32, #tpu.memory_space<vmem>> -> memref<128xi32, #tpu.memory_space<vmem>>
      %dma_start3A_159 = arith.constant 0 : i32
      %dma_start3A_160 = arith.constant 0 : i32
      %dma_start3A_161 = tpu.memref_slice %arg2[%dma_start3A_159, %dma_start3A_160] : memref<1000000x32xf32, #tpu.memory_space<hbm>> -> memref<1000000x32xf32, #tpu.memory_space<hbm>>
      tpu.enqueue_indirect_dma source(%dma_start3A_161 : memref<1000000x32xf32, #tpu.memory_space<hbm>>) target(%dma_start3A_155 : memref<128x32xf32, #tpu.memory_space<vmem>>) offsets(%dma_start3A_158 : memref<128xi32, #tpu.memory_space<vmem>>) semaphore(%arg10 : memref<!tpu.dma_semaphore, #tpu.memory_space<semaphore_mem>>)
      %dma_start3A_162 = arith.constant 5 : i32
      %dma_start3A_163 = arith.constant 640 : i32
      %dma_start3A_164 = arith.constant 0 : i32
      %dma_start3A_165 = tpu.memref_slice %arg8[%dma_start3A_163, %dma_start3A_164] : memref<1024x32xf32, #tpu.memory_space<vmem>> -> memref<128x32xf32, #tpu.memory_space<vmem>>
      %dma_start3A_166 = arith.constant 0 : i32
      %dma_start3A_167 = tpu.memref_slice %arg6[%dma_start3A_162, %dma_start3A_166] : memref<8x128xi32, #tpu.memory_space<vmem>> -> memref<1x128xi32, #tpu.memory_space<vmem>>
      %dma_start3A_168 = tpu.memref_squeeze %dma_start3A_167 : memref<1x128xi32, #tpu.memory_space<vmem>> -> memref<128xi32, #tpu.memory_space<vmem>>
      %dma_start3A_169 = arith.constant 0 : i32
      %dma_start3A_170 = arith.constant 0 : i32
      %dma_start3A_171 = tpu.memref_slice %arg2[%dma_start3A_169, %dma_start3A_170] : memref<1000000x32xf32, #tpu.memory_space<hbm>> -> memref<1000000x32xf32, #tpu.memory_space<hbm>>
      tpu.enqueue_indirect_dma source(%dma_start3A_171 : memref<1000000x32xf32, #tpu.memory_space<hbm>>) target(%dma_start3A_165 : memref<128x32xf32, #tpu.memory_space<vmem>>) offsets(%dma_start3A_168 : memref<128xi32, #tpu.memory_space<vmem>>) semaphore(%arg10 : memref<!tpu.dma_semaphore, #tpu.memory_space<semaphore_mem>>)
      %dma_start3A_172 = arith.constant 6 : i32
      %dma_start3A_173 = arith.constant 768 : i32
      %dma_start3A_174 = arith.constant 0 : i32
      %dma_start3A_175 = tpu.memref_slice %arg8[%dma_start3A_173, %dma_start3A_174] : memref<1024x32xf32, #tpu.memory_space<vmem>> -> memref<128x32xf32, #tpu.memory_space<vmem>>
      %dma_start3A_176 = arith.constant 0 : i32
      %dma_start3A_177 = tpu.memref_slice %arg6[%dma_start3A_172, %dma_start3A_176] : memref<8x128xi32, #tpu.memory_space<vmem>> -> memref<1x128xi32, #tpu.memory_space<vmem>>
      %dma_start3A_178 = tpu.memref_squeeze %dma_start3A_177 : memref<1x128xi32, #tpu.memory_space<vmem>> -> memref<128xi32, #tpu.memory_space<vmem>>
      %dma_start3A_179 = arith.constant 0 : i32
      %dma_start3A_180 = arith.constant 0 : i32
      %dma_start3A_181 = tpu.memref_slice %arg2[%dma_start3A_179, %dma_start3A_180] : memref<1000000x32xf32, #tpu.memory_space<hbm>> -> memref<1000000x32xf32, #tpu.memory_space<hbm>>
      tpu.enqueue_indirect_dma source(%dma_start3A_181 : memref<1000000x32xf32, #tpu.memory_space<hbm>>) target(%dma_start3A_175 : memref<128x32xf32, #tpu.memory_space<vmem>>) offsets(%dma_start3A_178 : memref<128xi32, #tpu.memory_space<vmem>>) semaphore(%arg10 : memref<!tpu.dma_semaphore, #tpu.memory_space<semaphore_mem>>)
      %dma_start3A_182 = arith.constant 7 : i32
      %dma_start3A_183 = arith.constant 896 : i32
      %dma_start3A_184 = arith.constant 0 : i32
      %dma_start3A_185 = tpu.memref_slice %arg8[%dma_start3A_183, %dma_start3A_184] : memref<1024x32xf32, #tpu.memory_space<vmem>> -> memref<128x32xf32, #tpu.memory_space<vmem>>
      %dma_start3A_186 = arith.constant 0 : i32
      %dma_start3A_187 = tpu.memref_slice %arg6[%dma_start3A_182, %dma_start3A_186] : memref<8x128xi32, #tpu.memory_space<vmem>> -> memref<1x128xi32, #tpu.memory_space<vmem>>
      %dma_start3A_188 = tpu.memref_squeeze %dma_start3A_187 : memref<1x128xi32, #tpu.memory_space<vmem>> -> memref<128xi32, #tpu.memory_space<vmem>>
      %dma_start3A_189 = arith.constant 0 : i32
      %dma_start3A_190 = arith.constant 0 : i32
      %dma_start3A_191 = tpu.memref_slice %arg2[%dma_start3A_189, %dma_start3A_190] : memref<1000000x32xf32, #tpu.memory_space<hbm>> -> memref<1000000x32xf32, #tpu.memory_space<hbm>>
      tpu.enqueue_indirect_dma source(%dma_start3A_191 : memref<1000000x32xf32, #tpu.memory_space<hbm>>) target(%dma_start3A_185 : memref<128x32xf32, #tpu.memory_space<vmem>>) offsets(%dma_start3A_188 : memref<128xi32, #tpu.memory_space<vmem>>) semaphore(%arg10 : memref<!tpu.dma_semaphore, #tpu.memory_space<semaphore_mem>>)
      %dma_wait3A_192 = arith.constant 0 : i32
      %dma_wait3A_193 = arith.constant 0 : i32
      %dma_wait3A_194 = arith.constant 0 : i32
      %dma_wait3A_195 = tpu.memref_slice %arg7[%dma_wait3A_193, %dma_wait3A_194] : memref<1024x32xf32, #tpu.memory_space<vmem>> -> memref<128x32xf32, #tpu.memory_space<vmem>>
      %dma_wait3A_196 = arith.constant 0 : i32
      %dma_wait3A_197 = tpu.memref_slice %arg5[%dma_wait3A_192, %dma_wait3A_196] : memref<8x128xi32, #tpu.memory_space<vmem>> -> memref<1x128xi32, #tpu.memory_space<vmem>>
      %dma_wait3A_198 = tpu.memref_squeeze %dma_wait3A_197 : memref<1x128xi32, #tpu.memory_space<vmem>> -> memref<128xi32, #tpu.memory_space<vmem>>
      %dma_wait3A_199 = arith.constant 0 : i32
      %dma_wait3A_200 = arith.constant 0 : i32
      %dma_wait3A_201 = tpu.memref_slice %arg2[%dma_wait3A_199, %dma_wait3A_200] : memref<1000000x32xf32, #tpu.memory_space<hbm>> -> memref<1000000x32xf32, #tpu.memory_space<hbm>>
      tpu.wait_indirect_dma semaphore(%arg9 : memref<!tpu.dma_semaphore, #tpu.memory_space<semaphore_mem>>) src(%dma_wait3A_201 : memref<1000000x32xf32, #tpu.memory_space<hbm>>) dst(%dma_wait3A_195 : memref<128x32xf32, #tpu.memory_space<vmem>>)
      %dma_wait3A_202 = arith.constant 1 : i32
      %dma_wait3A_203 = arith.constant 128 : i32
      %dma_wait3A_204 = arith.constant 0 : i32
      %dma_wait3A_205 = tpu.memref_slice %arg7[%dma_wait3A_203, %dma_wait3A_204] : memref<1024x32xf32, #tpu.memory_space<vmem>> -> memref<128x32xf32, #tpu.memory_space<vmem>>
      %dma_wait3A_206 = arith.constant 0 : i32
      %dma_wait3A_207 = tpu.memref_slice %arg5[%dma_wait3A_202, %dma_wait3A_206] : memref<8x128xi32, #tpu.memory_space<vmem>> -> memref<1x128xi32, #tpu.memory_space<vmem>>
      %dma_wait3A_208 = tpu.memref_squeeze %dma_wait3A_207 : memref<1x128xi32, #tpu.memory_space<vmem>> -> memref<128xi32, #tpu.memory_space<vmem>>
      %dma_wait3A_209 = arith.constant 0 : i32
      %dma_wait3A_210 = arith.constant 0 : i32
      %dma_wait3A_211 = tpu.memref_slice %arg2[%dma_wait3A_209, %dma_wait3A_210] : memref<1000000x32xf32, #tpu.memory_space<hbm>> -> memref<1000000x32xf32, #tpu.memory_space<hbm>>
      tpu.wait_indirect_dma semaphore(%arg9 : memref<!tpu.dma_semaphore, #tpu.memory_space<semaphore_mem>>) src(%dma_wait3A_211 : memref<1000000x32xf32, #tpu.memory_space<hbm>>) dst(%dma_wait3A_205 : memref<128x32xf32, #tpu.memory_space<vmem>>)
      %dma_wait3A_212 = arith.constant 2 : i32
      %dma_wait3A_213 = arith.constant 256 : i32
      %dma_wait3A_214 = arith.constant 0 : i32
      %dma_wait3A_215 = tpu.memref_slice %arg7[%dma_wait3A_213, %dma_wait3A_214] : memref<1024x32xf32, #tpu.memory_space<vmem>> -> memref<128x32xf32, #tpu.memory_space<vmem>>
      %dma_wait3A_216 = arith.constant 0 : i32
      %dma_wait3A_217 = tpu.memref_slice %arg5[%dma_wait3A_212, %dma_wait3A_216] : memref<8x128xi32, #tpu.memory_space<vmem>> -> memref<1x128xi32, #tpu.memory_space<vmem>>
      %dma_wait3A_218 = tpu.memref_squeeze %dma_wait3A_217 : memref<1x128xi32, #tpu.memory_space<vmem>> -> memref<128xi32, #tpu.memory_space<vmem>>
      %dma_wait3A_219 = arith.constant 0 : i32
      %dma_wait3A_220 = arith.constant 0 : i32
      %dma_wait3A_221 = tpu.memref_slice %arg2[%dma_wait3A_219, %dma_wait3A_220] : memref<1000000x32xf32, #tpu.memory_space<hbm>> -> memref<1000000x32xf32, #tpu.memory_space<hbm>>
      tpu.wait_indirect_dma semaphore(%arg9 : memref<!tpu.dma_semaphore, #tpu.memory_space<semaphore_mem>>) src(%dma_wait3A_221 : memref<1000000x32xf32, #tpu.memory_space<hbm>>) dst(%dma_wait3A_215 : memref<128x32xf32, #tpu.memory_space<vmem>>)
      %dma_wait3A_222 = arith.constant 3 : i32
      %dma_wait3A_223 = arith.constant 384 : i32
      %dma_wait3A_224 = arith.constant 0 : i32
      %dma_wait3A_225 = tpu.memref_slice %arg7[%dma_wait3A_223, %dma_wait3A_224] : memref<1024x32xf32, #tpu.memory_space<vmem>> -> memref<128x32xf32, #tpu.memory_space<vmem>>
      %dma_wait3A_226 = arith.constant 0 : i32
      %dma_wait3A_227 = tpu.memref_slice %arg5[%dma_wait3A_222, %dma_wait3A_226] : memref<8x128xi32, #tpu.memory_space<vmem>> -> memref<1x128xi32, #tpu.memory_space<vmem>>
      %dma_wait3A_228 = tpu.memref_squeeze %dma_wait3A_227 : memref<1x128xi32, #tpu.memory_space<vmem>> -> memref<128xi32, #tpu.memory_space<vmem>>
      %dma_wait3A_229 = arith.constant 0 : i32
      %dma_wait3A_230 = arith.constant 0 : i32
      %dma_wait3A_231 = tpu.memref_slice %arg2[%dma_wait3A_229, %dma_wait3A_230] : memref<1000000x32xf32, #tpu.memory_space<hbm>> -> memref<1000000x32xf32, #tpu.memory_space<hbm>>
      tpu.wait_indirect_dma semaphore(%arg9 : memref<!tpu.dma_semaphore, #tpu.memory_space<semaphore_mem>>) src(%dma_wait3A_231 : memref<1000000x32xf32, #tpu.memory_space<hbm>>) dst(%dma_wait3A_225 : memref<128x32xf32, #tpu.memory_space<vmem>>)
      %dma_wait3A_232 = arith.constant 4 : i32
      %dma_wait3A_233 = arith.constant 512 : i32
      %dma_wait3A_234 = arith.constant 0 : i32
      %dma_wait3A_235 = tpu.memref_slice %arg7[%dma_wait3A_233, %dma_wait3A_234] : memref<1024x32xf32, #tpu.memory_space<vmem>> -> memref<128x32xf32, #tpu.memory_space<vmem>>
      %dma_wait3A_236 = arith.constant 0 : i32
      %dma_wait3A_237 = tpu.memref_slice %arg5[%dma_wait3A_232, %dma_wait3A_236] : memref<8x128xi32, #tpu.memory_space<vmem>> -> memref<1x128xi32, #tpu.memory_space<vmem>>
      %dma_wait3A_238 = tpu.memref_squeeze %dma_wait3A_237 : memref<1x128xi32, #tpu.memory_space<vmem>> -> memref<128xi32, #tpu.memory_space<vmem>>
      %dma_wait3A_239 = arith.constant 0 : i32
      %dma_wait3A_240 = arith.constant 0 : i32
      %dma_wait3A_241 = tpu.memref_slice %arg2[%dma_wait3A_239, %dma_wait3A_240] : memref<1000000x32xf32, #tpu.memory_space<hbm>> -> memref<1000000x32xf32, #tpu.memory_space<hbm>>
      tpu.wait_indirect_dma semaphore(%arg9 : memref<!tpu.dma_semaphore, #tpu.memory_space<semaphore_mem>>) src(%dma_wait3A_241 : memref<1000000x32xf32, #tpu.memory_space<hbm>>) dst(%dma_wait3A_235 : memref<128x32xf32, #tpu.memory_space<vmem>>)
      %dma_wait3A_242 = arith.constant 5 : i32
      %dma_wait3A_243 = arith.constant 640 : i32
      %dma_wait3A_244 = arith.constant 0 : i32
      %dma_wait3A_245 = tpu.memref_slice %arg7[%dma_wait3A_243, %dma_wait3A_244] : memref<1024x32xf32, #tpu.memory_space<vmem>> -> memref<128x32xf32, #tpu.memory_space<vmem>>
      %dma_wait3A_246 = arith.constant 0 : i32
      %dma_wait3A_247 = tpu.memref_slice %arg5[%dma_wait3A_242, %dma_wait3A_246] : memref<8x128xi32, #tpu.memory_space<vmem>> -> memref<1x128xi32, #tpu.memory_space<vmem>>
      %dma_wait3A_248 = tpu.memref_squeeze %dma_wait3A_247 : memref<1x128xi32, #tpu.memory_space<vmem>> -> memref<128xi32, #tpu.memory_space<vmem>>
      %dma_wait3A_249 = arith.constant 0 : i32
      %dma_wait3A_250 = arith.constant 0 : i32
      %dma_wait3A_251 = tpu.memref_slice %arg2[%dma_wait3A_249, %dma_wait3A_250] : memref<1000000x32xf32, #tpu.memory_space<hbm>> -> memref<1000000x32xf32, #tpu.memory_space<hbm>>
      tpu.wait_indirect_dma semaphore(%arg9 : memref<!tpu.dma_semaphore, #tpu.memory_space<semaphore_mem>>) src(%dma_wait3A_251 : memref<1000000x32xf32, #tpu.memory_space<hbm>>) dst(%dma_wait3A_245 : memref<128x32xf32, #tpu.memory_space<vmem>>)
      %dma_wait3A_252 = arith.constant 6 : i32
      %dma_wait3A_253 = arith.constant 768 : i32
      %dma_wait3A_254 = arith.constant 0 : i32
      %dma_wait3A_255 = tpu.memref_slice %arg7[%dma_wait3A_253, %dma_wait3A_254] : memref<1024x32xf32, #tpu.memory_space<vmem>> -> memref<128x32xf32, #tpu.memory_space<vmem>>
      %dma_wait3A_256 = arith.constant 0 : i32
      %dma_wait3A_257 = tpu.memref_slice %arg5[%dma_wait3A_252, %dma_wait3A_256] : memref<8x128xi32, #tpu.memory_space<vmem>> -> memref<1x128xi32, #tpu.memory_space<vmem>>
      %dma_wait3A_258 = tpu.memref_squeeze %dma_wait3A_257 : memref<1x128xi32, #tpu.memory_space<vmem>> -> memref<128xi32, #tpu.memory_space<vmem>>
      %dma_wait3A_259 = arith.constant 0 : i32
      %dma_wait3A_260 = arith.constant 0 : i32
      %dma_wait3A_261 = tpu.memref_slice %arg2[%dma_wait3A_259, %dma_wait3A_260] : memref<1000000x32xf32, #tpu.memory_space<hbm>> -> memref<1000000x32xf32, #tpu.memory_space<hbm>>
      tpu.wait_indirect_dma semaphore(%arg9 : memref<!tpu.dma_semaphore, #tpu.memory_space<semaphore_mem>>) src(%dma_wait3A_261 : memref<1000000x32xf32, #tpu.memory_space<hbm>>) dst(%dma_wait3A_255 : memref<128x32xf32, #tpu.memory_space<vmem>>)
      %dma_wait3A_262 = arith.constant 7 : i32
      %dma_wait3A_263 = arith.constant 896 : i32
      %dma_wait3A_264 = arith.constant 0 : i32
      %dma_wait3A_265 = tpu.memref_slice %arg7[%dma_wait3A_263, %dma_wait3A_264] : memref<1024x32xf32, #tpu.memory_space<vmem>> -> memref<128x32xf32, #tpu.memory_space<vmem>>
      %dma_wait3A_266 = arith.constant 0 : i32
      %dma_wait3A_267 = tpu.memref_slice %arg5[%dma_wait3A_262, %dma_wait3A_266] : memref<8x128xi32, #tpu.memory_space<vmem>> -> memref<1x128xi32, #tpu.memory_space<vmem>>
      %dma_wait3A_268 = tpu.memref_squeeze %dma_wait3A_267 : memref<1x128xi32, #tpu.memory_space<vmem>> -> memref<128xi32, #tpu.memory_space<vmem>>
      %dma_wait3A_269 = arith.constant 0 : i32
      %dma_wait3A_270 = arith.constant 0 : i32
      %dma_wait3A_271 = tpu.memref_slice %arg2[%dma_wait3A_269, %dma_wait3A_270] : memref<1000000x32xf32, #tpu.memory_space<hbm>> -> memref<1000000x32xf32, #tpu.memory_space<hbm>>
      tpu.wait_indirect_dma semaphore(%arg9 : memref<!tpu.dma_semaphore, #tpu.memory_space<semaphore_mem>>) src(%dma_wait3A_271 : memref<1000000x32xf32, #tpu.memory_space<hbm>>) dst(%dma_wait3A_265 : memref<128x32xf32, #tpu.memory_space<vmem>>)
      %mul3A_272 = arith.constant 800 : i32
      %mul3A_273 = arith.muli %add3A, %mul3A_272 : i32
      %mul3A_274 = arith.constant 8 : i32
      %mul3A_275 = arith.muli %mul3A_102, %mul3A_274 : i32
      %add3A_276 = arith.addi %mul3A_273, %mul3A_275 : i32
      %mul3A_277 = arith.constant 128 : i32
      %mul3A_278 = arith.muli %add3A_276, %mul3A_277 : i32
      %dma_start3A_279 = arith.constant 0 : i32
      %dma_start3A_280 = tpu.memref_slice %arg4[%mul3A_278, %dma_start3A_279] : memref<3276800x32xf32, #tpu.memory_space<hbm>> -> memref<1024x32xf32, #tpu.memory_space<hbm>>
      %dma_start3A_281 = arith.constant 0 : i32
      %dma_start3A_282 = tpu.memref_slice %arg4[%mul3A_278, %dma_start3A_281] : memref<3276800x32xf32, #tpu.memory_space<hbm>> -> memref<1024x32xf32, #tpu.memory_space<hbm>>
      tpu.enqueue_dma source(%arg7 : memref<1024x32xf32, #tpu.memory_space<vmem>>) target(%dma_start3A_282 : memref<1024x32xf32, #tpu.memory_space<hbm>>) target_semaphore(%arg11 : memref<!tpu.dma_semaphore, #tpu.memory_space<semaphore_mem>>)
      %add3A_283 = arith.constant 1 : i32
      %add3A_284 = arith.addi %scan3A_100, %add3A_283 : i32
      %lt3A = arith.constant 50 : i32
      %lt3A_285 = arith.cmpi slt, %add3A_284, %lt3A : i32
      %convert_element_type3A_286 = arith.extui %lt3A_285 : i1 to i32
      %cond3A_287 = arith.constant 0 : i32
      %cond3A_288 = arith.cmpi ne, %convert_element_type3A_286, %cond3A_287 : i32
      scf.if %cond3A_288 {
        %dma_wait3A_380 = arith.constant 0 : i32
        %dma_wait3A_381 = arith.constant 0 : i32
        %dma_wait3A_382 = tpu.memref_slice %arg4[%dma_wait3A_380, %dma_wait3A_381] : memref<3276800x32xf32, #tpu.memory_space<hbm>> -> memref<1024x32xf32, #tpu.memory_space<hbm>>
        %dma_wait3A_383 = arith.constant 0 : i32
        %dma_wait3A_384 = arith.constant 0 : i32
        %dma_wait3A_385 = tpu.memref_slice %arg4[%dma_wait3A_383, %dma_wait3A_384] : memref<3276800x32xf32, #tpu.memory_space<hbm>> -> memref<1024x32xf32, #tpu.memory_space<hbm>>
        tpu.wait_dma2 semaphore(%arg11 : memref<!tpu.dma_semaphore, #tpu.memory_space<semaphore_mem>>) src(%arg7 : memref<1024x32xf32, #tpu.memory_space<vmem>>) dst(%dma_wait3A_385 : memref<1024x32xf32, #tpu.memory_space<hbm>>)
        %add3A_386 = arith.constant 2 : i32
        %add3A_387 = arith.addi %mul3A_102, %add3A_386 : i32
        %mul3A_388 = arith.constant 800 : i32
        %mul3A_389 = arith.muli %add3A, %mul3A_388 : i32
        %mul3A_390 = arith.constant 8 : i32
        %mul3A_391 = arith.muli %add3A_387, %mul3A_390 : i32
        %add3A_392 = arith.addi %mul3A_389, %mul3A_391 : i32
        "tpu.region"() ({
          %run_scoped3A = tpu.sem_alloc : memref<!tpu.dma_semaphore, #tpu.memory_space<semaphore_mem>>
          %dma_start3A_473 = arith.constant 0 : i32
          %dma_start3A_474 = tpu.memref_slice %arg3[%add3A_392, %dma_start3A_473] : memref<25600x128xi32, #tpu.memory_space<hbm>> -> memref<8x128xi32, #tpu.memory_space<hbm>>
          %dma_start3A_475 = arith.constant 0 : i32
          %dma_start3A_476 = tpu.memref_slice %arg3[%add3A_392, %dma_start3A_475] : memref<25600x128xi32, #tpu.memory_space<hbm>> -> memref<8x128xi32, #tpu.memory_space<hbm>>
          tpu.enqueue_dma source(%dma_start3A_476 : memref<8x128xi32, #tpu.memory_space<hbm>>) target(%arg5 : memref<8x128xi32, #tpu.memory_space<vmem>>) target_semaphore(%run_scoped3A : memref<!tpu.dma_semaphore, #tpu.memory_space<semaphore_mem>>)
          %dma_wait3A_477 = arith.constant 0 : i32
          %dma_wait3A_478 = tpu.memref_slice %arg3[%add3A_392, %dma_wait3A_477] : memref<25600x128xi32, #tpu.memory_space<hbm>> -> memref<8x128xi32, #tpu.memory_space<hbm>>
          %dma_wait3A_479 = arith.constant 0 : i32
          %dma_wait3A_480 = tpu.memref_slice %arg3[%add3A_392, %dma_wait3A_479] : memref<25600x128xi32, #tpu.memory_space<hbm>> -> memref<8x128xi32, #tpu.memory_space<hbm>>
          tpu.wait_dma2 semaphore(%run_scoped3A : memref<!tpu.dma_semaphore, #tpu.memory_space<semaphore_mem>>) src(%dma_wait3A_480 : memref<8x128xi32, #tpu.memory_space<hbm>>) dst(%arg5 : memref<8x128xi32, #tpu.memory_space<vmem>>)
          tpu.yield
        }) : () -> ()
        %dma_start3A_393 = arith.constant 0 : i32
        %dma_start3A_394 = arith.constant 0 : i32
        %dma_start3A_395 = arith.constant 0 : i32
        %dma_start3A_396 = tpu.memref_slice %arg7[%dma_start3A_394, %dma_start3A_395] : memref<1024x32xf32, #tpu.memory_space<vmem>> -> memref<128x32xf32, #tpu.memory_space<vmem>>
        %dma_start3A_397 = arith.constant 0 : i32
        %dma_start3A_398 = tpu.memref_slice %arg5[%dma_start3A_393, %dma_start3A_397] : memref<8x128xi32, #tpu.memory_space<vmem>> -> memref<1x128xi32, #tpu.memory_space<vmem>>
        %dma_start3A_399 = tpu.memref_squeeze %dma_start3A_398 : memref<1x128xi32, #tpu.memory_space<vmem>> -> memref<128xi32, #tpu.memory_space<vmem>>
        %dma_start3A_400 = arith.constant 0 : i32
        %dma_start3A_401 = arith.constant 0 : i32
        %dma_start3A_402 = tpu.memref_slice %arg2[%dma_start3A_400, %dma_start3A_401] : memref<1000000x32xf32, #tpu.memory_space<hbm>> -> memref<1000000x32xf32, #tpu.memory_space<hbm>>
        tpu.enqueue_indirect_dma source(%dma_start3A_402 : memref<1000000x32xf32, #tpu.memory_space<hbm>>) target(%dma_start3A_396 : memref<128x32xf32, #tpu.memory_space<vmem>>) offsets(%dma_start3A_399 : memref<128xi32, #tpu.memory_space<vmem>>) semaphore(%arg9 : memref<!tpu.dma_semaphore, #tpu.memory_space<semaphore_mem>>)
        %dma_start3A_403 = arith.constant 1 : i32
        %dma_start3A_404 = arith.constant 128 : i32
        %dma_start3A_405 = arith.constant 0 : i32
        %dma_start3A_406 = tpu.memref_slice %arg7[%dma_start3A_404, %dma_start3A_405] : memref<1024x32xf32, #tpu.memory_space<vmem>> -> memref<128x32xf32, #tpu.memory_space<vmem>>
        %dma_start3A_407 = arith.constant 0 : i32
        %dma_start3A_408 = tpu.memref_slice %arg5[%dma_start3A_403, %dma_start3A_407] : memref<8x128xi32, #tpu.memory_space<vmem>> -> memref<1x128xi32, #tpu.memory_space<vmem>>
        %dma_start3A_409 = tpu.memref_squeeze %dma_start3A_408 : memref<1x128xi32, #tpu.memory_space<vmem>> -> memref<128xi32, #tpu.memory_space<vmem>>
        %dma_start3A_410 = arith.constant 0 : i32
        %dma_start3A_411 = arith.constant 0 : i32
        %dma_start3A_412 = tpu.memref_slice %arg2[%dma_start3A_410, %dma_start3A_411] : memref<1000000x32xf32, #tpu.memory_space<hbm>> -> memref<1000000x32xf32, #tpu.memory_space<hbm>>
        tpu.enqueue_indirect_dma source(%dma_start3A_412 : memref<1000000x32xf32, #tpu.memory_space<hbm>>) target(%dma_start3A_406 : memref<128x32xf32, #tpu.memory_space<vmem>>) offsets(%dma_start3A_409 : memref<128xi32, #tpu.memory_space<vmem>>) semaphore(%arg9 : memref<!tpu.dma_semaphore, #tpu.memory_space<semaphore_mem>>)
        %dma_start3A_413 = arith.constant 2 : i32
        %dma_start3A_414 = arith.constant 256 : i32
        %dma_start3A_415 = arith.constant 0 : i32
        %dma_start3A_416 = tpu.memref_slice %arg7[%dma_start3A_414, %dma_start3A_415] : memref<1024x32xf32, #tpu.memory_space<vmem>> -> memref<128x32xf32, #tpu.memory_space<vmem>>
        %dma_start3A_417 = arith.constant 0 : i32
        %dma_start3A_418 = tpu.memref_slice %arg5[%dma_start3A_413, %dma_start3A_417] : memref<8x128xi32, #tpu.memory_space<vmem>> -> memref<1x128xi32, #tpu.memory_space<vmem>>
        %dma_start3A_419 = tpu.memref_squeeze %dma_start3A_418 : memref<1x128xi32, #tpu.memory_space<vmem>> -> memref<128xi32, #tpu.memory_space<vmem>>
        %dma_start3A_420 = arith.constant 0 : i32
        %dma_start3A_421 = arith.constant 0 : i32
        %dma_start3A_422 = tpu.memref_slice %arg2[%dma_start3A_420, %dma_start3A_421] : memref<1000000x32xf32, #tpu.memory_space<hbm>> -> memref<1000000x32xf32, #tpu.memory_space<hbm>>
        tpu.enqueue_indirect_dma source(%dma_start3A_422 : memref<1000000x32xf32, #tpu.memory_space<hbm>>) target(%dma_start3A_416 : memref<128x32xf32, #tpu.memory_space<vmem>>) offsets(%dma_start3A_419 : memref<128xi32, #tpu.memory_space<vmem>>) semaphore(%arg9 : memref<!tpu.dma_semaphore, #tpu.memory_space<semaphore_mem>>)
        %dma_start3A_423 = arith.constant 3 : i32
        %dma_start3A_424 = arith.constant 384 : i32
        %dma_start3A_425 = arith.constant 0 : i32
        %dma_start3A_426 = tpu.memref_slice %arg7[%dma_start3A_424, %dma_start3A_425] : memref<1024x32xf32, #tpu.memory_space<vmem>> -> memref<128x32xf32, #tpu.memory_space<vmem>>
        %dma_start3A_427 = arith.constant 0 : i32
        %dma_start3A_428 = tpu.memref_slice %arg5[%dma_start3A_423, %dma_start3A_427] : memref<8x128xi32, #tpu.memory_space<vmem>> -> memref<1x128xi32, #tpu.memory_space<vmem>>
        %dma_start3A_429 = tpu.memref_squeeze %dma_start3A_428 : memref<1x128xi32, #tpu.memory_space<vmem>> -> memref<128xi32, #tpu.memory_space<vmem>>
        %dma_start3A_430 = arith.constant 0 : i32
        %dma_start3A_431 = arith.constant 0 : i32
        %dma_start3A_432 = tpu.memref_slice %arg2[%dma_start3A_430, %dma_start3A_431] : memref<1000000x32xf32, #tpu.memory_space<hbm>> -> memref<1000000x32xf32, #tpu.memory_space<hbm>>
        tpu.enqueue_indirect_dma source(%dma_start3A_432 : memref<1000000x32xf32, #tpu.memory_space<hbm>>) target(%dma_start3A_426 : memref<128x32xf32, #tpu.memory_space<vmem>>) offsets(%dma_start3A_429 : memref<128xi32, #tpu.memory_space<vmem>>) semaphore(%arg9 : memref<!tpu.dma_semaphore, #tpu.memory_space<semaphore_mem>>)
        %dma_start3A_433 = arith.constant 4 : i32
        %dma_start3A_434 = arith.constant 512 : i32
        %dma_start3A_435 = arith.constant 0 : i32
        %dma_start3A_436 = tpu.memref_slice %arg7[%dma_start3A_434, %dma_start3A_435] : memref<1024x32xf32, #tpu.memory_space<vmem>> -> memref<128x32xf32, #tpu.memory_space<vmem>>
        %dma_start3A_437 = arith.constant 0 : i32
        %dma_start3A_438 = tpu.memref_slice %arg5[%dma_start3A_433, %dma_start3A_437] : memref<8x128xi32, #tpu.memory_space<vmem>> -> memref<1x128xi32, #tpu.memory_space<vmem>>
        %dma_start3A_439 = tpu.memref_squeeze %dma_start3A_438 : memref<1x128xi32, #tpu.memory_space<vmem>> -> memref<128xi32, #tpu.memory_space<vmem>>
        %dma_start3A_440 = arith.constant 0 : i32
        %dma_start3A_441 = arith.constant 0 : i32
        %dma_start3A_442 = tpu.memref_slice %arg2[%dma_start3A_440, %dma_start3A_441] : memref<1000000x32xf32, #tpu.memory_space<hbm>> -> memref<1000000x32xf32, #tpu.memory_space<hbm>>
        tpu.enqueue_indirect_dma source(%dma_start3A_442 : memref<1000000x32xf32, #tpu.memory_space<hbm>>) target(%dma_start3A_436 : memref<128x32xf32, #tpu.memory_space<vmem>>) offsets(%dma_start3A_439 : memref<128xi32, #tpu.memory_space<vmem>>) semaphore(%arg9 : memref<!tpu.dma_semaphore, #tpu.memory_space<semaphore_mem>>)
        %dma_start3A_443 = arith.constant 5 : i32
        %dma_start3A_444 = arith.constant 640 : i32
        %dma_start3A_445 = arith.constant 0 : i32
        %dma_start3A_446 = tpu.memref_slice %arg7[%dma_start3A_444, %dma_start3A_445] : memref<1024x32xf32, #tpu.memory_space<vmem>> -> memref<128x32xf32, #tpu.memory_space<vmem>>
        %dma_start3A_447 = arith.constant 0 : i32
        %dma_start3A_448 = tpu.memref_slice %arg5[%dma_start3A_443, %dma_start3A_447] : memref<8x128xi32, #tpu.memory_space<vmem>> -> memref<1x128xi32, #tpu.memory_space<vmem>>
        %dma_start3A_449 = tpu.memref_squeeze %dma_start3A_448 : memref<1x128xi32, #tpu.memory_space<vmem>> -> memref<128xi32, #tpu.memory_space<vmem>>
        %dma_start3A_450 = arith.constant 0 : i32
        %dma_start3A_451 = arith.constant 0 : i32
        %dma_start3A_452 = tpu.memref_slice %arg2[%dma_start3A_450, %dma_start3A_451] : memref<1000000x32xf32, #tpu.memory_space<hbm>> -> memref<1000000x32xf32, #tpu.memory_space<hbm>>
        tpu.enqueue_indirect_dma source(%dma_start3A_452 : memref<1000000x32xf32, #tpu.memory_space<hbm>>) target(%dma_start3A_446 : memref<128x32xf32, #tpu.memory_space<vmem>>) offsets(%dma_start3A_449 : memref<128xi32, #tpu.memory_space<vmem>>) semaphore(%arg9 : memref<!tpu.dma_semaphore, #tpu.memory_space<semaphore_mem>>)
        %dma_start3A_453 = arith.constant 6 : i32
        %dma_start3A_454 = arith.constant 768 : i32
        %dma_start3A_455 = arith.constant 0 : i32
        %dma_start3A_456 = tpu.memref_slice %arg7[%dma_start3A_454, %dma_start3A_455] : memref<1024x32xf32, #tpu.memory_space<vmem>> -> memref<128x32xf32, #tpu.memory_space<vmem>>
        %dma_start3A_457 = arith.constant 0 : i32
        %dma_start3A_458 = tpu.memref_slice %arg5[%dma_start3A_453, %dma_start3A_457] : memref<8x128xi32, #tpu.memory_space<vmem>> -> memref<1x128xi32, #tpu.memory_space<vmem>>
        %dma_start3A_459 = tpu.memref_squeeze %dma_start3A_458 : memref<1x128xi32, #tpu.memory_space<vmem>> -> memref<128xi32, #tpu.memory_space<vmem>>
        %dma_start3A_460 = arith.constant 0 : i32
        %dma_start3A_461 = arith.constant 0 : i32
        %dma_start3A_462 = tpu.memref_slice %arg2[%dma_start3A_460, %dma_start3A_461] : memref<1000000x32xf32, #tpu.memory_space<hbm>> -> memref<1000000x32xf32, #tpu.memory_space<hbm>>
        tpu.enqueue_indirect_dma source(%dma_start3A_462 : memref<1000000x32xf32, #tpu.memory_space<hbm>>) target(%dma_start3A_456 : memref<128x32xf32, #tpu.memory_space<vmem>>) offsets(%dma_start3A_459 : memref<128xi32, #tpu.memory_space<vmem>>) semaphore(%arg9 : memref<!tpu.dma_semaphore, #tpu.memory_space<semaphore_mem>>)
        %dma_start3A_463 = arith.constant 7 : i32
        %dma_start3A_464 = arith.constant 896 : i32
        %dma_start3A_465 = arith.constant 0 : i32
        %dma_start3A_466 = tpu.memref_slice %arg7[%dma_start3A_464, %dma_start3A_465] : memref<1024x32xf32, #tpu.memory_space<vmem>> -> memref<128x32xf32, #tpu.memory_space<vmem>>
        %dma_start3A_467 = arith.constant 0 : i32
        %dma_start3A_468 = tpu.memref_slice %arg5[%dma_start3A_463, %dma_start3A_467] : memref<8x128xi32, #tpu.memory_space<vmem>> -> memref<1x128xi32, #tpu.memory_space<vmem>>
        %dma_start3A_469 = tpu.memref_squeeze %dma_start3A_468 : memref<1x128xi32, #tpu.memory_space<vmem>> -> memref<128xi32, #tpu.memory_space<vmem>>
        %dma_start3A_470 = arith.constant 0 : i32
        %dma_start3A_471 = arith.constant 0 : i32
        %dma_start3A_472 = tpu.memref_slice %arg2[%dma_start3A_470, %dma_start3A_471] : memref<1000000x32xf32, #tpu.memory_space<hbm>> -> memref<1000000x32xf32, #tpu.memory_space<hbm>>
        tpu.enqueue_indirect_dma source(%dma_start3A_472 : memref<1000000x32xf32, #tpu.memory_space<hbm>>) target(%dma_start3A_466 : memref<128x32xf32, #tpu.memory_space<vmem>>) offsets(%dma_start3A_469 : memref<128xi32, #tpu.memory_space<vmem>>) semaphore(%arg9 : memref<!tpu.dma_semaphore, #tpu.memory_space<semaphore_mem>>)
      } else {
      }
      %dma_wait3A_289 = arith.constant 0 : i32
      %dma_wait3A_290 = arith.constant 0 : i32
      %dma_wait3A_291 = arith.constant 0 : i32
      %dma_wait3A_292 = tpu.memref_slice %arg8[%dma_wait3A_290, %dma_wait3A_291] : memref<1024x32xf32, #tpu.memory_space<vmem>> -> memref<128x32xf32, #tpu.memory_space<vmem>>
      %dma_wait3A_293 = arith.constant 0 : i32
      %dma_wait3A_294 = tpu.memref_slice %arg6[%dma_wait3A_289, %dma_wait3A_293] : memref<8x128xi32, #tpu.memory_space<vmem>> -> memref<1x128xi32, #tpu.memory_space<vmem>>
      %dma_wait3A_295 = tpu.memref_squeeze %dma_wait3A_294 : memref<1x128xi32, #tpu.memory_space<vmem>> -> memref<128xi32, #tpu.memory_space<vmem>>
      %dma_wait3A_296 = arith.constant 0 : i32
      %dma_wait3A_297 = arith.constant 0 : i32
      %dma_wait3A_298 = tpu.memref_slice %arg2[%dma_wait3A_296, %dma_wait3A_297] : memref<1000000x32xf32, #tpu.memory_space<hbm>> -> memref<1000000x32xf32, #tpu.memory_space<hbm>>
      tpu.wait_indirect_dma semaphore(%arg10 : memref<!tpu.dma_semaphore, #tpu.memory_space<semaphore_mem>>) src(%dma_wait3A_298 : memref<1000000x32xf32, #tpu.memory_space<hbm>>) dst(%dma_wait3A_292 : memref<128x32xf32, #tpu.memory_space<vmem>>)
      %dma_wait3A_299 = arith.constant 1 : i32
      %dma_wait3A_300 = arith.constant 128 : i32
      %dma_wait3A_301 = arith.constant 0 : i32
      %dma_wait3A_302 = tpu.memref_slice %arg8[%dma_wait3A_300, %dma_wait3A_301] : memref<1024x32xf32, #tpu.memory_space<vmem>> -> memref<128x32xf32, #tpu.memory_space<vmem>>
      %dma_wait3A_303 = arith.constant 0 : i32
      %dma_wait3A_304 = tpu.memref_slice %arg6[%dma_wait3A_299, %dma_wait3A_303] : memref<8x128xi32, #tpu.memory_space<vmem>> -> memref<1x128xi32, #tpu.memory_space<vmem>>
      %dma_wait3A_305 = tpu.memref_squeeze %dma_wait3A_304 : memref<1x128xi32, #tpu.memory_space<vmem>> -> memref<128xi32, #tpu.memory_space<vmem>>
      %dma_wait3A_306 = arith.constant 0 : i32
      %dma_wait3A_307 = arith.constant 0 : i32
      %dma_wait3A_308 = tpu.memref_slice %arg2[%dma_wait3A_306, %dma_wait3A_307] : memref<1000000x32xf32, #tpu.memory_space<hbm>> -> memref<1000000x32xf32, #tpu.memory_space<hbm>>
      tpu.wait_indirect_dma semaphore(%arg10 : memref<!tpu.dma_semaphore, #tpu.memory_space<semaphore_mem>>) src(%dma_wait3A_308 : memref<1000000x32xf32, #tpu.memory_space<hbm>>) dst(%dma_wait3A_302 : memref<128x32xf32, #tpu.memory_space<vmem>>)
      %dma_wait3A_309 = arith.constant 2 : i32
      %dma_wait3A_310 = arith.constant 256 : i32
      %dma_wait3A_311 = arith.constant 0 : i32
      %dma_wait3A_312 = tpu.memref_slice %arg8[%dma_wait3A_310, %dma_wait3A_311] : memref<1024x32xf32, #tpu.memory_space<vmem>> -> memref<128x32xf32, #tpu.memory_space<vmem>>
      %dma_wait3A_313 = arith.constant 0 : i32
      %dma_wait3A_314 = tpu.memref_slice %arg6[%dma_wait3A_309, %dma_wait3A_313] : memref<8x128xi32, #tpu.memory_space<vmem>> -> memref<1x128xi32, #tpu.memory_space<vmem>>
      %dma_wait3A_315 = tpu.memref_squeeze %dma_wait3A_314 : memref<1x128xi32, #tpu.memory_space<vmem>> -> memref<128xi32, #tpu.memory_space<vmem>>
      %dma_wait3A_316 = arith.constant 0 : i32
      %dma_wait3A_317 = arith.constant 0 : i32
      %dma_wait3A_318 = tpu.memref_slice %arg2[%dma_wait3A_316, %dma_wait3A_317] : memref<1000000x32xf32, #tpu.memory_space<hbm>> -> memref<1000000x32xf32, #tpu.memory_space<hbm>>
      tpu.wait_indirect_dma semaphore(%arg10 : memref<!tpu.dma_semaphore, #tpu.memory_space<semaphore_mem>>) src(%dma_wait3A_318 : memref<1000000x32xf32, #tpu.memory_space<hbm>>) dst(%dma_wait3A_312 : memref<128x32xf32, #tpu.memory_space<vmem>>)
      %dma_wait3A_319 = arith.constant 3 : i32
      %dma_wait3A_320 = arith.constant 384 : i32
      %dma_wait3A_321 = arith.constant 0 : i32
      %dma_wait3A_322 = tpu.memref_slice %arg8[%dma_wait3A_320, %dma_wait3A_321] : memref<1024x32xf32, #tpu.memory_space<vmem>> -> memref<128x32xf32, #tpu.memory_space<vmem>>
      %dma_wait3A_323 = arith.constant 0 : i32
      %dma_wait3A_324 = tpu.memref_slice %arg6[%dma_wait3A_319, %dma_wait3A_323] : memref<8x128xi32, #tpu.memory_space<vmem>> -> memref<1x128xi32, #tpu.memory_space<vmem>>
      %dma_wait3A_325 = tpu.memref_squeeze %dma_wait3A_324 : memref<1x128xi32, #tpu.memory_space<vmem>> -> memref<128xi32, #tpu.memory_space<vmem>>
      %dma_wait3A_326 = arith.constant 0 : i32
      %dma_wait3A_327 = arith.constant 0 : i32
      %dma_wait3A_328 = tpu.memref_slice %arg2[%dma_wait3A_326, %dma_wait3A_327] : memref<1000000x32xf32, #tpu.memory_space<hbm>> -> memref<1000000x32xf32, #tpu.memory_space<hbm>>
      tpu.wait_indirect_dma semaphore(%arg10 : memref<!tpu.dma_semaphore, #tpu.memory_space<semaphore_mem>>) src(%dma_wait3A_328 : memref<1000000x32xf32, #tpu.memory_space<hbm>>) dst(%dma_wait3A_322 : memref<128x32xf32, #tpu.memory_space<vmem>>)
      %dma_wait3A_329 = arith.constant 4 : i32
      %dma_wait3A_330 = arith.constant 512 : i32
      %dma_wait3A_331 = arith.constant 0 : i32
      %dma_wait3A_332 = tpu.memref_slice %arg8[%dma_wait3A_330, %dma_wait3A_331] : memref<1024x32xf32, #tpu.memory_space<vmem>> -> memref<128x32xf32, #tpu.memory_space<vmem>>
      %dma_wait3A_333 = arith.constant 0 : i32
      %dma_wait3A_334 = tpu.memref_slice %arg6[%dma_wait3A_329, %dma_wait3A_333] : memref<8x128xi32, #tpu.memory_space<vmem>> -> memref<1x128xi32, #tpu.memory_space<vmem>>
      %dma_wait3A_335 = tpu.memref_squeeze %dma_wait3A_334 : memref<1x128xi32, #tpu.memory_space<vmem>> -> memref<128xi32, #tpu.memory_space<vmem>>
      %dma_wait3A_336 = arith.constant 0 : i32
      %dma_wait3A_337 = arith.constant 0 : i32
      %dma_wait3A_338 = tpu.memref_slice %arg2[%dma_wait3A_336, %dma_wait3A_337] : memref<1000000x32xf32, #tpu.memory_space<hbm>> -> memref<1000000x32xf32, #tpu.memory_space<hbm>>
      tpu.wait_indirect_dma semaphore(%arg10 : memref<!tpu.dma_semaphore, #tpu.memory_space<semaphore_mem>>) src(%dma_wait3A_338 : memref<1000000x32xf32, #tpu.memory_space<hbm>>) dst(%dma_wait3A_332 : memref<128x32xf32, #tpu.memory_space<vmem>>)
      %dma_wait3A_339 = arith.constant 5 : i32
      %dma_wait3A_340 = arith.constant 640 : i32
      %dma_wait3A_341 = arith.constant 0 : i32
      %dma_wait3A_342 = tpu.memref_slice %arg8[%dma_wait3A_340, %dma_wait3A_341] : memref<1024x32xf32, #tpu.memory_space<vmem>> -> memref<128x32xf32, #tpu.memory_space<vmem>>
      %dma_wait3A_343 = arith.constant 0 : i32
      %dma_wait3A_344 = tpu.memref_slice %arg6[%dma_wait3A_339, %dma_wait3A_343] : memref<8x128xi32, #tpu.memory_space<vmem>> -> memref<1x128xi32, #tpu.memory_space<vmem>>
      %dma_wait3A_345 = tpu.memref_squeeze %dma_wait3A_344 : memref<1x128xi32, #tpu.memory_space<vmem>> -> memref<128xi32, #tpu.memory_space<vmem>>
      %dma_wait3A_346 = arith.constant 0 : i32
      %dma_wait3A_347 = arith.constant 0 : i32
      %dma_wait3A_348 = tpu.memref_slice %arg2[%dma_wait3A_346, %dma_wait3A_347] : memref<1000000x32xf32, #tpu.memory_space<hbm>> -> memref<1000000x32xf32, #tpu.memory_space<hbm>>
      tpu.wait_indirect_dma semaphore(%arg10 : memref<!tpu.dma_semaphore, #tpu.memory_space<semaphore_mem>>) src(%dma_wait3A_348 : memref<1000000x32xf32, #tpu.memory_space<hbm>>) dst(%dma_wait3A_342 : memref<128x32xf32, #tpu.memory_space<vmem>>)
      %dma_wait3A_349 = arith.constant 6 : i32
      %dma_wait3A_350 = arith.constant 768 : i32
      %dma_wait3A_351 = arith.constant 0 : i32
      %dma_wait3A_352 = tpu.memref_slice %arg8[%dma_wait3A_350, %dma_wait3A_351] : memref<1024x32xf32, #tpu.memory_space<vmem>> -> memref<128x32xf32, #tpu.memory_space<vmem>>
      %dma_wait3A_353 = arith.constant 0 : i32
      %dma_wait3A_354 = tpu.memref_slice %arg6[%dma_wait3A_349, %dma_wait3A_353] : memref<8x128xi32, #tpu.memory_space<vmem>> -> memref<1x128xi32, #tpu.memory_space<vmem>>
      %dma_wait3A_355 = tpu.memref_squeeze %dma_wait3A_354 : memref<1x128xi32, #tpu.memory_space<vmem>> -> memref<128xi32, #tpu.memory_space<vmem>>
      %dma_wait3A_356 = arith.constant 0 : i32
      %dma_wait3A_357 = arith.constant 0 : i32
      %dma_wait3A_358 = tpu.memref_slice %arg2[%dma_wait3A_356, %dma_wait3A_357] : memref<1000000x32xf32, #tpu.memory_space<hbm>> -> memref<1000000x32xf32, #tpu.memory_space<hbm>>
      tpu.wait_indirect_dma semaphore(%arg10 : memref<!tpu.dma_semaphore, #tpu.memory_space<semaphore_mem>>) src(%dma_wait3A_358 : memref<1000000x32xf32, #tpu.memory_space<hbm>>) dst(%dma_wait3A_352 : memref<128x32xf32, #tpu.memory_space<vmem>>)
      %dma_wait3A_359 = arith.constant 7 : i32
      %dma_wait3A_360 = arith.constant 896 : i32
      %dma_wait3A_361 = arith.constant 0 : i32
      %dma_wait3A_362 = tpu.memref_slice %arg8[%dma_wait3A_360, %dma_wait3A_361] : memref<1024x32xf32, #tpu.memory_space<vmem>> -> memref<128x32xf32, #tpu.memory_space<vmem>>
      %dma_wait3A_363 = arith.constant 0 : i32
      %dma_wait3A_364 = tpu.memref_slice %arg6[%dma_wait3A_359, %dma_wait3A_363] : memref<8x128xi32, #tpu.memory_space<vmem>> -> memref<1x128xi32, #tpu.memory_space<vmem>>
      %dma_wait3A_365 = tpu.memref_squeeze %dma_wait3A_364 : memref<1x128xi32, #tpu.memory_space<vmem>> -> memref<128xi32, #tpu.memory_space<vmem>>
      %dma_wait3A_366 = arith.constant 0 : i32
      %dma_wait3A_367 = arith.constant 0 : i32
      %dma_wait3A_368 = tpu.memref_slice %arg2[%dma_wait3A_366, %dma_wait3A_367] : memref<1000000x32xf32, #tpu.memory_space<hbm>> -> memref<1000000x32xf32, #tpu.memory_space<hbm>>
      tpu.wait_indirect_dma semaphore(%arg10 : memref<!tpu.dma_semaphore, #tpu.memory_space<semaphore_mem>>) src(%dma_wait3A_368 : memref<1000000x32xf32, #tpu.memory_space<hbm>>) dst(%dma_wait3A_362 : memref<128x32xf32, #tpu.memory_space<vmem>>)
      %mul3A_369 = arith.constant 800 : i32
      %mul3A_370 = arith.muli %add3A, %mul3A_369 : i32
      %mul3A_371 = arith.constant 8 : i32
      %mul3A_372 = arith.muli %add3A_104, %mul3A_371 : i32
      %add3A_373 = arith.addi %mul3A_370, %mul3A_372 : i32
      %mul3A_374 = arith.constant 128 : i32
      %mul3A_375 = arith.muli %add3A_373, %mul3A_374 : i32
      %dma_start3A_376 = arith.constant 0 : i32
      %dma_start3A_377 = tpu.memref_slice %arg4[%mul3A_375, %dma_start3A_376] : memref<3276800x32xf32, #tpu.memory_space<hbm>> -> memref<1024x32xf32, #tpu.memory_space<hbm>>
      %dma_start3A_378 = arith.constant 0 : i32
      %dma_start3A_379 = tpu.memref_slice %arg4[%mul3A_375, %dma_start3A_378] : memref<3276800x32xf32, #tpu.memory_space<hbm>> -> memref<1024x32xf32, #tpu.memory_space<hbm>>
      tpu.enqueue_dma source(%arg8 : memref<1024x32xf32, #tpu.memory_space<vmem>>) target(%dma_start3A_379 : memref<1024x32xf32, #tpu.memory_space<hbm>>) target_semaphore(%arg12 : memref<!tpu.dma_semaphore, #tpu.memory_space<semaphore_mem>>)
    }
    %scan3A_88 = arith.constant 50 : i32
    %dma_wait3A = arith.constant 0 : i32
    %dma_wait3A_89 = arith.constant 0 : i32
    %dma_wait3A_90 = tpu.memref_slice %arg4[%dma_wait3A, %dma_wait3A_89] : memref<3276800x32xf32, #tpu.memory_space<hbm>> -> memref<1024x32xf32, #tpu.memory_space<hbm>>
    %dma_wait3A_91 = arith.constant 0 : i32
    %dma_wait3A_92 = arith.constant 0 : i32
    %dma_wait3A_93 = tpu.memref_slice %arg4[%dma_wait3A_91, %dma_wait3A_92] : memref<3276800x32xf32, #tpu.memory_space<hbm>> -> memref<1024x32xf32, #tpu.memory_space<hbm>>
    tpu.wait_dma2 semaphore(%arg11 : memref<!tpu.dma_semaphore, #tpu.memory_space<semaphore_mem>>) src(%arg7 : memref<1024x32xf32, #tpu.memory_space<vmem>>) dst(%dma_wait3A_93 : memref<1024x32xf32, #tpu.memory_space<hbm>>)
    %dma_wait3A_94 = arith.constant 0 : i32
    %dma_wait3A_95 = arith.constant 0 : i32
    %dma_wait3A_96 = tpu.memref_slice %arg4[%dma_wait3A_94, %dma_wait3A_95] : memref<3276800x32xf32, #tpu.memory_space<hbm>> -> memref<1024x32xf32, #tpu.memory_space<hbm>>
    %dma_wait3A_97 = arith.constant 0 : i32
    %dma_wait3A_98 = arith.constant 0 : i32
    %dma_wait3A_99 = tpu.memref_slice %arg4[%dma_wait3A_97, %dma_wait3A_98] : memref<3276800x32xf32, #tpu.memory_space<hbm>> -> memref<1024x32xf32, #tpu.memory_space<hbm>>
    tpu.wait_dma2 semaphore(%arg12 : memref<!tpu.dma_semaphore, #tpu.memory_space<semaphore_mem>>) src(%arg8 : memref<1024x32xf32, #tpu.memory_space<vmem>>) dst(%dma_wait3A_99 : memref<1024x32xf32, #tpu.memory_space<hbm>>)
    return
  }
}

module attributes {stable_mosaic.version = 14 : i64} {
  func.func @body(%arg0: i32, %arg1: memref<32x8192xf32, #tpu.memory_space<vmem>>, %arg2: memref<8192x32xf32, #tpu.memory_space<vmem>>) attributes {dimension_semantics = [#tpu.dimension_semantics<arbitrary>], iteration_bounds = array<i64: 123>, scalar_prefetch = 0 : i64, scratch_operands = 0 : i64, tpu.core_type = #tpu.core_type<tc>, window_params = [{transform_indices = @transform_0, window_bounds = array<i64: 32, 8192>}, {transform_indices = @transform_1, window_bounds = array<i64: 8192, 32>}]} {
    %get3A = arith.constant 0 : index
    %get3A_0 = arith.constant 0 : index
    %get3A_1 = vector.load %arg1[%get3A, %get3A_0] : memref<32x8192xf32, #tpu.memory_space<vmem>>, vector<32x8192xf32>
    %transpose3A = tpu.transpose %get3A_1, [1, 0] : vector<32x8192xf32> -> vector<8192x32xf32>
    %mul3A = arith.constant 5.65685415 : f32
    %mul3A_2 = vector.broadcast %mul3A : f32 to vector<8192x32xf32>
    %mul3A_3 = arith.mulf %transpose3A, %mul3A_2 : vector<8192x32xf32>
    %swap3A = arith.constant 0 : index
    %swap3A_4 = arith.constant 0 : index
    %swap3A_5 = vector.load %arg2[%swap3A, %swap3A_4] : memref<8192x32xf32, #tpu.memory_space<vmem>>, vector<8192x32xf32>
    tpu.vector_store %arg2[%swap3A, %swap3A_4], %mul3A_3 {strides = array<i32>} : memref<8192x32xf32, #tpu.memory_space<vmem>>, vector<8192x32xf32>,
    return
  }
  func.func @transform_0(%arg0: i32) -> (i32, i32) {
    %c0_i32 = arith.constant 0 : i32
    %c0_i32_0 = arith.constant 0 : i32
    return %c0_i32, %arg0 : i32, i32
  }
  func.func @transform_1(%arg0: i32) -> (i32, i32) {
    %c0_i32 = arith.constant 0 : i32
    %c0_i32_0 = arith.constant 0 : i32
    return %arg0, %c0_i32 : i32, i32
  }
}

</mosaic_0001>

<sc_bundles>
// kernel: kernel.4.cloned.1.call-start
scs
__scs_entry_jumppad:
0x0: {  	(pc) =	sbr.rel $0x88, $3  }
0x1: {  	(tag) =	ssettag $0x0;
	lr =	simm.s32 $0x1  }
0x2: {  	[smem:$0x3F9F] =	sst lr;
	_ =	strace $0xD0000000  }
0x3: {  	_ = 	snop  }
0x4: {  	_ = 	snop  }
0x5: {  	_ = 	snop  }
0x6: {  	_ = 	snop  }
0x7: {  	_ = 	snop  }
__scs_overlays_trampoline_lowered:
0x8: {  	[smem:$0x3FAE] =	sst s0  }
0x9: {  	[smem:$0x3FAF] =	sst s1  }
0xa: {  	[smem:$0x3FB0] =	sst s2  }
0xb: {  	[smem:$0x3FB1] =	sst s3  }
0xc: {  	[smem:$0x3FB2] =	sst s4  }
0xd: {  	[smem:$0x3FB3] =	sst s5  }
0xe: {  	[smem:$0x3FB4] =	sst s6  }
0xf: {  	[smem:$0x3FB5] =	sst s7  }
0x10: {  	[smem:$0x3FB6] =	sst s8  }
0x11: {  	[smem:$0x3FB7] =	sst s9;
	s0 =	simm.s32 @!p0 $0x0  }
0x12: {  	s1 =	sld [smem:$0x3F9D];
	s0 =	simm.s32 @p0 $0x1  }
0x13: {  	[smem:$0x3FB8] =	sst s0;
	s0 =	simm.s32 @!p1 $0x0  }
0x14: {  	s2 =	sld [smem:$0x3F9C];
	s0 =	simm.s32 @p1 $0x1  }
0x15: {  	[smem:$0x3FB9] =	sst s0;
	s0 =	simm.s32 @!p2 $0x0  }
0x16: {  	s3 =	sld [smem:$0x3FDB];
	s0 =	simm.s32 @p2 $0x1  }
0x17: {  	s4 =	simm.s32 $0x1BF5;
	[smem:$0x3FBB] =	sst s0  }
0x18: {  	s0 =	sld [smem:$0x3F9E];
	_ =	swait.ge [sflag:s4], $0x0  }
0x19: {  	s7 =	sld [smem:$0x3F9F]  }
0x1a: {  	s8 =	sadd.s32 $0xFFFFE003, lr  }
0x1b: {  	s9 =	sadd.s32 $0xFFFFFEF7, lr;
	s5 =	simm.s32 $0xFFFFFFFF;
	p2 =	slt.u32 s8, $0xFFFFF086  }
0x1c: {  	p1 =	slt.u32 s9, $0xF7A;
	s5 =	simm.s32 @!p2 $0x0  }
0x1d: {  	s5 =	simm.s32 @p1 $0x1;
	p0 =	seq.s32 s7, s2  }
0x1e: {  	s7 =	smul.u32 @!p0 $0xF7A, s2;
	p2 =	seq.s32 @!p0 s5, $0x0  }
0x1f: {  	s9 =	smul.u32 $0xF7A, s1;
	s8 =	simm.s32 @!p0 $0x1BF5;
	p2 =	por !p2, p0  }
0x20: {  	[sflag:s8] =	ssyncset.s32 @!p0 $0xFFFFF086;
	s6 =	sadd.s32 @!p0 s3, s7;
	s7 =	simm.s32 @!p0 $0x108  }
0x21: {  	s3 =	sadd.s32 s3, s9;
	s6 =	sadd.s32 @!p0 $0x88, s6;
	s7 =	simm.s32 @p2 $0x1082  }
0x22: {  	[simem:s7], [sflag:s8] =	dma.local @!p0 [hbm:s6], $0xF7A  }
0x23: {  	s9 =	sor.u32 $0xD0000000, s2;
	s6 =	simm.s32 $0x108;
	_ =	swait.ge @!p0 [sflag:s8], $0x0  }
0x24: {  	s3 =	sadd.s32 $0x88, s3;
	s6 =	simm.s32 @!p1 $0x1082;
	[sflag:s4] =	ssyncset.s32 $0xFFFFF086  }
0x25: {  	[simem:s6], [sflag:s4] =	dma.local [hbm:s3], $0xF7A  }
0x26: {  	[smem:$0x3F9F] =	sst s1;
	(tag) =	ssettag s2;
	_ =	strace s9  }
0x27: {  	s1 =	sld [smem:$0x3FAF]  }
0x28: {  	s2 =	sld [smem:$0x3FB0]  }
0x29: {  	s4 =	sld [smem:$0x3FB2]  }
0x2a: {  	p0 =	seq.s32 s5, $0x0;
	s5 =	sld [smem:$0x3FB3]  }
0x2b: {  	s6 =	sld [smem:$0x3FB4]  }
0x2c: {  	s7 =	sld [smem:$0x3FB5]  }
0x2d: {  	s3 =	simm.s32 $0x108;
	s8 =	sld [smem:$0x3FB6]  }
0x2e: {  	s3 =	simm.s32 @!p0 $0x1082;
	s9 =	sld [smem:$0x3FB7]  }
0x2f: {  	lr =	sadd.s32 s0, s3;
	s0 =	sld [smem:$0x3FAE]  }
0x30: {  	s3 =	sld [smem:$0x3FB1]  }
0x31: {  	[smem:$0x3FBA] =	sst s10  }
0x32: {  	s10 =	sld [smem:$0x3FB8];
	_ =	sdelay $0x3  }
0x33: {  	p0 =	seq.s32 s10, $0x1;
	s10 =	sld [smem:$0x3FBA];
	_ =	sdelay $0x3  }
0x34: {  	[smem:$0x3FBA] =	sst s10  }
0x35: {  	s10 =	sld [smem:$0x3FB9];
	_ =	sdelay $0x3  }
0x36: {  	p1 =	seq.s32 s10, $0x1;
	s10 =	sld [smem:$0x3FBA];
	_ =	sdelay $0x3  }
0x37: {  	[smem:$0x3FBA] =	sst s10  }
0x38: {  	s10 =	sld [smem:$0x3FBB]  }
0x39: {  	_ = 	snop;
	(pc) =	sbr.ind lr, $3  }
0x3a: {  	_ = 	snop  }
0x3b: {  	_ = 	snop  }
0x3c: {  	p2 =	seq.s32 s10, $0x1;
	s10 =	sld [smem:$0x3FBA]  }
0x3d: {  	_ =	shalt  }
0x3e: {  	_ =	shalt  }
0x3f: {  	_ =	shalt  }
0x40: {  	_ =	shalt  }
0x41: {  	_ =	shalt  }
0x42: {  	_ =	shalt  }
0x43: {  	_ =	shalt  }
0x44: {  	_ =	shalt  }
0x45: {  	_ =	shalt  }
0x46: {  	_ =	shalt  }
0x47: {  	_ =	shalt  }
0x48: {  	_ =	shalt  }
0x49: {  	_ =	shalt  }
0x4a: {  	_ =	shalt  }
0x4b: {  	_ =	shalt  }
0x4c: {  	_ =	shalt  }
0x4d: {  	_ =	shalt  }
0x4e: {  	_ =	shalt  }
0x4f: {  	_ =	shalt  }
0x50: {  	_ =	shalt  }
0x51: {  	_ =	shalt  }
0x52: {  	_ =	shalt  }
0x53: {  	_ =	shalt  }
0x54: {  	_ =	shalt  }
0x55: {  	_ =	shalt  }
0x56: {  	_ =	shalt  }
0x57: {  	_ =	shalt  }
0x58: {  	_ =	shalt  }
0x59: {  	_ =	shalt  }
0x5a: {  	_ =	shalt  }
0x5b: {  	_ =	shalt  }
0x5c: {  	_ =	shalt  }
0x5d: {  	_ =	shalt  }
0x5e: {  	_ =	shalt  }
0x5f: {  	_ =	shalt  }
0x60: {  	_ =	shalt  }
0x61: {  	_ =	shalt  }
0x62: {  	_ =	shalt  }
0x63: {  	_ =	shalt  }
0x64: {  	_ =	shalt  }
0x65: {  	_ =	shalt  }
0x66: {  	_ =	shalt  }
0x67: {  	_ =	shalt  }
0x68: {  	_ =	shalt  }
0x69: {  	_ =	shalt  }
0x6a: {  	_ =	shalt  }
0x6b: {  	_ =	shalt  }
0x6c: {  	_ =	shalt  }
0x6d: {  	_ =	shalt  }
0x6e: {  	_ =	shalt  }
0x6f: {  	_ =	shalt  }
0x70: {  	_ =	shalt  }
0x71: {  	_ =	shalt  }
0x72: {  	_ =	shalt  }
0x73: {  	_ =	shalt  }
0x74: {  	_ =	shalt  }
0x75: {  	_ =	shalt  }
0x76: {  	_ =	shalt  }
0x77: {  	_ =	shalt  }
0x78: {  	_ =	shalt  }
0x79: {  	_ =	shalt  }
0x7a: {  	_ =	shalt  }
0x7b: {  	_ =	shalt  }
0x7c: {  	_ =	shalt  }
0x7d: {  	_ =	shalt  }
0x7e: {  	_ =	shalt  }
0x7f: {  	_ =	shalt  }
0x80: {  	_ =	shalt  }
0x81: {  	_ =	shalt  }
0x82: {  	_ =	shalt  }
0x83: {  	_ =	shalt  }
0x84: {  	_ =	shalt  }
0x85: {  	_ =	shalt  }
0x86: {  	_ =	shalt  }
0x87: {  	_ =	shalt  }
.Lfunc_end0:
.L_simem_size_0:
called_computation.1_lowered:
.L_overlay_start_0:
0x88: {  	s2 =	sld [smem:$0x3FD9]  }
0x89: {  	s3 =	sld [smem:$0x3FFE];
	_ =	sdelay $0x1  }
0x8a: {  	s1 =	srdreg.scid  }
0x8b: {  	s0 =	sand.u32 $0x1, s1  }
0x8c: {  	s17 =	sshll.u32 s0, $0xA;
	s2 =	sadd.s32 s3, s2  }
0x8d: {  	s2 =	sadd.s32 s2, s17  }
0x8e: {  	[smem:$0x3FC6] =	sst s2  }
0x8f: {  	_ = 	snop  }
0x90: {  	s2 =	sld [smem:$0x3FD0];
	(tm) =	ssettm $0x1  }
0x91: {  	s18 =	sld [smem:$0x3FFB];
	_ =	sdelay $0x3  }
0x92: {  	_ =	strace s18  }
0x93: {  	s3 =	sld [smem:$0x3FFC];
	_ =	sdelay $0x3  }
0x94: {  	_ =	strace s3  }
0x95: {  	s3 =	sld [smem:$0x3FFD];
	_ =	sdelay $0x3  }
0x96: {  	_ =	strace s3  }
0x97: {  	_ =	strace $0x8FFFFFFF  }
0x98: {  	s19 =	sld [smem:$0x3FDB];
	_ =	sdelay $0x1  }
0x99: {  	s4 =	simm.s32 $_scs_section_size  }
0x9a: {  	s5 =	simm.s32 $_size__tile_overlayer_lowered;
	s6 =	simm.s32 $_tile_overlayer_lowered  }
0x9b: {  	s22 =	simm.s32 $0x1BFF;
	s21 =	sshll.u32 s6, $0x1;
	s3 =	sadd.s32 s4, s19  }
0x9c: {  	s7 =	simm.s32 $0x0;
	s20 =	sshll.u32 s5, $0x1;
	s5 =	sadd.s32 s21, s3  }
0x9d: {  	[timem:s7], [sflag:s22] =	dma.local [hbm:s5], s20  }
0x9e: {  	_ =	swait.ge [sflag:s22], s20  }
0x9f: {  	s4 =	ssub.s32 $0x0, s20;
	[sflag:s22] =	ssyncset.done $0x0  }
0xa0: {  	[sflag:s22] =	ssyncadd.s32 s4;
	_ =	sdelay $0x1  }
0xa1: {  	s23 =	simm.s32 $0x1B8B  }
0xa2: {  	_ =	swait.ge [sflag:s23], $0x1  }
0xa3: {  	[sflag:s23] =	ssyncset.done $0x0  }
0xa4: {  	s25 =	simm.s32 $0x1B8E;
	s24 =	sld [smem:$0x3FFE];
	[sflag:s23] =	ssyncadd.s32 $0xFFFFFFFF  }
0xa5: {  	s26 =	simm.s32 $execute0_lowered;
	[smem:$0x3FD2] =	sst s25  }
0xa6: {  	s5 =	sshll.u32 s26, $0x1;
	_ =	strace $0x80000046;
	[dreg:$0x1] =	wrdreg $0xFFFFFFFF  }
0xa7: {  	s28 =	simm.s32 $_size_execute0_lowered;
	s3 =	sadd.s32 s3, s5;
	[dreg:$0x0] =	wrdreg $0x0  }
0xa8: {  	s5 =	sshll.u32 s28, $0x1;
	[dreg:$0x2] =	wrdreg s3  }
0xa9: {  	[dreg:$0x3] =	wrdreg s5  }
0xaa: {  	[dreg:$0x4] =	wrdreg $0xC0  }
0xab: {  	_ =	task [dreg:s7], $0x5FFFF  }
0xac: {  	[dreg:$0x1] =	wrdreg $0xFFFFFFFF  }
0xad: {  	[dreg:$0x0] =	wrdreg $0x60  }
0xae: {  	[dreg:$0x2] =	wrdreg s24  }
0xaf: {  	[dreg:$0x3] =	wrdreg s2  }
0xb0: {  	[dreg:$0x4] =	wrdreg $0x9  }
0xb1: {  	_ =	task.clear_ibuf [dreg:s7], $0x5FFFF;
	_ =	strace $0x90000046  }
0xb2: {  	s29 =	simm.s32 $0x9;
	_ =	strace $0x80000048  }
0xb3: {  	_ =	swait.ge [sflag:s29], $0x1  }
0xb4: {  	[sflag:s29] =	ssyncadd.s32 $0xFFFFFFFF  }
0xb5: {  	_ =	strace $0x90000048  }
0xb6: {  	_ =	sfence  }
0xb7: {  	s30 =	sld [smem:$0x0];
	_ =	sdelay $0x2  }
0xb8: {  	s31 =	sshll.u32 s1, $0xD;
	s1 =	sshrl.u32 s1, $0x2  }
0xb9: {  	s3 =	sand.u32 $0x4000, s31;
	s1 =	sadd.s32 s1, s30  }
0xba: {  	s0 =	sor.u32 s3, s0;
	s1 =	sshll.u32 s1, $0x11  }
0xbb: {  	s0 =	sor.u32 s1, s0  }
0xbc: {  	s0 =	sadd.s32 $0x8F2B, s0  }
0xbd: {  	[sflag:s0] =	ssyncadd.remote.s32 $0x1  }
0xbe: {  	_ =	sfence.sel $0xFFFF  }
0xbf: {  	[dreg:$0x0] =	wrdreg $0xFFFFFFFF;
	(pc) =	sbr.abs _section_cstart, $3  }
0xc0: {  	[dreg:$0x1] =	wrdreg $0xFFFFFFFF  }
0xc1: {  	_ =	task.clear_ibuf [dreg:s7], $0x2FFFF;
	_ =	strace $0x9FFFFFFF  }
0xc2: {  	(tm) =	ssettm $0x7FFFFFFF  }
0xc3: {  	_ =	shalt  }
tec
execute0_lowered:
.L_overlay_start_1:
0x0: {  	(tag) =	ssettag $0x1  }
0x1: {  	s0 =	rddreg [dreg:$0x0]  }
0x2: {  	s1 =	rddreg [dreg:$0x1]  }
0x3: {  	s2 =	simm.s32 $0x0;
	s3 =	srdreg.scid;
	s8 =	stileid.u32  }
0x4: {  	s13 =	simm.s32 $0x480;
	s14 =	simm.s32 $0x9800;
	s15 =	simm.s32 $0x500  }
0x5: {  	s16 =	simm.s32 $0xA800;
	s17 =	simm.s32 $0x580;
	[smem:$0x7FF] =	sst s2  }
0x6: {  	s18 =	simm.s32 $0xB800;
	_ =	strace $0x80000047;
	[dreg:$0x5] =	wrdreg s13  }
0x7: {  	s19 =	simm.s32 $0x600;
	s20 =	simm.s32 $0xC800;
	[dreg:$0x6] =	wrdreg s14  }
0x8: {  	s21 =	simm.s32 $0x680;
	s22 =	simm.s32 $0xD800;
	[dreg:$0x7] =	wrdreg s15  }
0x9: {  	s23 =	simm.s32 $0x700;
	s24 =	simm.s32 $0xE800;
	[dreg:$0x8] =	wrdreg s16  }
0xa: {  	s28 =	simm.s32 $0x2;
	s29 =	simm.s32 $0x3;
	[dreg:$0x9] =	wrdreg s17  }
0xb: {  	s30 =	simm.s32 $0x4;
	s31 =	simm.s32 $0x0;
	[dreg:$0xa] =	wrdreg s18  }
0xc: {  	s4 =	sand.u32 $0x1, s3;
	s5 =	smul.u32 $0x640000, s8;
	[dreg:$0xb] =	wrdreg s19  }
0xd: {  	s3 =	sadd.s32 $0xFA6C00, s0;
	s7 =	sshll.u32 s8, $0x1;
	[dreg:$0xc] =	wrdreg s20  }
0xe: {  	s8 =	smul.u32 $0x640, s8;
	s0 =	sadd.s32 $0x800, s0;
	[dreg:$0xd] =	wrdreg s21  }
0xf: {  	s6 =	smul.u32 $0x320000, s4;
	s9 =	ssub.s32 $0x2, s4;
	[dreg:$0xe] =	wrdreg s22  }
0x10: {  	s7 =	sor.u32 s4, s7;
	s4 =	smul.u32 $0x320, s4;
	[dreg:$0xf] =	wrdreg s23  }
0x11: {  	[dreg:$0x10] =	wrdreg s24;
	s22 =	simm.s32 $0x380;
	s23 =	simm.s32 $0x7800  }
0x12: {  	s24 =	simm.s32 $0x400;
	s10 =	sshrl.u32 s9, $0x1;
	s7 =	smul.u32 $0x3200, s7  }
0x13: {  	s9 =	ssub.s32 s9, s10;
	s5 =	sadd.s32 s6, s5;
	s25 =	sadd.s32 s4, s8  }
0x14: {  	s4 =	sadd.s32 s0, s7;
	s26 =	sshrl.u32 s5, $0x3;
	s8 =	sor.u32 $0x8, s25  }
0x15: {  	s5 =	smax.u32 s9, $0x1;
	s6 =	sshll.u32 s25, $0x4;
	s9 =	simm.s32 $0x80  }
0x16: {  	s25 =	simm.s32 $0x780;
	s7 =	sadd.s32 s26, s1;
	s8 =	sshrl.u32 s8, $0x3  }
0x17: {  	s6 =	sadd.s32 s6, s0;
	[dreg:$0x11] =	wrdreg s25;
	s26 =	simm.s32 $0xF800  }
0x18: {  	s25 =	simm.s32 $0x8800;
	[dreg:$0x3] =	wrdreg s7;
	s10 =	sshll.u32 s8, $0xC  }
0x19: {  	s11 =	sshll.u32 s8, $0x7;
	s12 =	sadd.s32 $0x100, s6;
	s8 =	simm.s32 $0x5  }
0x1a: {  	[dreg:$0x12] =	wrdreg s26;
	s26 =	simm.s32 $0x1;
	s1 =	sadd.s32 s10, s1  }
0x1b: {  	s7 =	sadd.s32 s11, s0;
	s10 =	simm.s32 $0x800;
	[dreg:$0x4] =	wrdreg s1  }
.LBB2_1:
0x1c: {  	[tilespmem:s2], [sflag:$0x5] =	stream.linear.gather [hbm4b:s4+s2], $0x400, $0x38;
	[tilespmem:$0x10800] =	vst v63  }
0x1d: {  	_ =	swait.ge [sflag:s8], $0x400  }
0x1e: {  	[sflag:s8] =	ssyncset.done $0x0  }
0x1f: {  	[sflag:s8] =	ssyncadd.s32 $0xFFFFFC00  }
0x20: {  	[tilespmem:s10], [sflag:$0x1] =	stream.indirect.gather [hbm4b:s3+s9], $0x20, s2, s9, $0xb8;
	[tilespmem:$0x10800] =	vst v63  }
0x21: {  	s0 =	simm.s32 $0x1800  }
0x22: {  	[tilespmem:s0], [sflag:$0x1] =	stream.indirect.gather [hbm4b:s3+s9], $0x20, s9, s9, $0xb8;
	[tilespmem:$0x10800] =	vst v63  }
0x23: {  	s21 =	simm.s32 $0x100;
	s1 =	simm.s32 $0x2800  }
0x24: {  	[tilespmem:s1], [sflag:$0x1] =	stream.indirect.gather [hbm4b:s3+s9], $0x20, s21, s9, $0xb8;
	[tilespmem:$0x10800] =	vst v63  }
0x25: {  	s6 =	simm.s32 $0x3800;
	s1 =	simm.s32 $0x180  }
0x26: {  	[tilespmem:s6], [sflag:$0x1] =	stream.indirect.gather [hbm4b:s3+s9], $0x20, s1, s9, $0xb8;
	[tilespmem:$0x10800] =	vst v63  }
0x27: {  	s11 =	simm.s32 $0x200;
	s13 =	simm.s32 $0x4800  }
0x28: {  	[tilespmem:s13], [sflag:$0x1] =	stream.indirect.gather [hbm4b:s3+s9], $0x20, s11, s9, $0xb8;
	[tilespmem:$0x10800] =	vst v63  }
0x29: {  	s14 =	simm.s32 $0x280;
	s15 =	simm.s32 $0x5800  }
0x2a: {  	[tilespmem:s15], [sflag:$0x1] =	stream.indirect.gather [hbm4b:s3+s9], $0x20, s14, s9, $0xb8;
	[tilespmem:$0x10800] =	vst v63  }
0x2b: {  	s16 =	simm.s32 $0x300;
	s17 =	simm.s32 $0x6800;
	p0 =	por $0x1, $0x1  }
0x2c: {  	[tilespmem:s17], [sflag:$0x1] =	stream.indirect.gather [hbm4b:s3+s9], $0x20, s16, s9, $0xb8;
	[tilespmem:$0x10800] =	vst v63  }
0x2d: {  	s0 =	simm.s32 @!p0 $0x4  }
0x2e: {  	[tilespmem:s23], [sflag:$0x1] =	stream.indirect.gather [hbm4b:s3+s9], $0x20, s22, s9, $0xb8;
	[tilespmem:$0x10800] =	vst v63  }
0x2f: {  	_ =	swait.ge @!p0 [sflag:s0], $0x8000  }
0x30: {  	[sflag:s0] =	ssyncset.done @!p0 $0x0  }
0x31: {  	[sflag:s0] =	ssyncadd.s32 @!p0 $0xFFFF8000  }
0x32: {  	[tilespmem:s24], [sflag:$0x5] =	stream.linear.gather [hbm4b:s7+s2], $0x400, $0x38;
	[tilespmem:$0x10800] =	vst v63  }
0x33: {  	_ =	swait.ge [sflag:s8], $0x400  }
0x34: {  	s18 =	rddreg [dreg:$0x7]  }
0x35: {  	s19 =	rddreg [dreg:$0x5]  }
0x36: {  	s6 =	rddreg [dreg:$0x6]  }
0x37: {  	s11 =	rddreg [dreg:$0x8]  }
0x38: {  	s20 =	rddreg [dreg:$0x9]  }
0x39: {  	[sflag:s8] =	ssyncset.done $0x0;
	s21 =	rddreg [dreg:$0xa]  }
0x3a: {  	s13 =	rddreg [dreg:$0xc];
	[sflag:s8] =	ssyncadd.s32 $0xFFFFFC00  }
0x3b: {  	[tilespmem:s25], [sflag:$0x2] =	stream.indirect.gather [hbm4b:s3+s9], $0x20, s24, s9, $0xb8;
	[tilespmem:$0x10800] =	vst v63  }
0x3c: {  	s14 =	rddreg [dreg:$0xb]  }
0x3d: {  	[tilespmem:s6], [sflag:$0x2] =	stream.indirect.gather [hbm4b:s3+s9], $0x20, s19, s9, $0xb8;
	[tilespmem:$0x10800] =	vst v63  }
0x3e: {  	s15 =	rddreg [dreg:$0xe]  }
0x3f: {  	[tilespmem:s11], [sflag:$0x2] =	stream.indirect.gather [hbm4b:s3+s9], $0x20, s18, s9, $0xb8;
	[tilespmem:$0x10800] =	vst v63  }
0x40: {  	s16 =	rddreg [dreg:$0xd]  }
0x41: {  	[tilespmem:s21], [sflag:$0x2] =	stream.indirect.gather [hbm4b:s3+s9], $0x20, s20, s9, $0xb8;
	[tilespmem:$0x10800] =	vst v63  }
0x42: {  	s17 =	rddreg [dreg:$0x10]  }
0x43: {  	[tilespmem:s13], [sflag:$0x2] =	stream.indirect.gather [hbm4b:s3+s9], $0x20, s14, s9, $0xb8;
	[tilespmem:$0x10800] =	vst v63  }
0x44: {  	s19 =	rddreg [dreg:$0x12]  }
0x45: {  	[tilespmem:s15], [sflag:$0x2] =	stream.indirect.gather [hbm4b:s3+s9], $0x20, s16, s9, $0xb8;
	[tilespmem:$0x10800] =	vst v63  }
0x46: {  	s18 =	rddreg [dreg:$0xf]  }
0x47: {  	[tilespmem:s17], [sflag:$0x2] =	stream.indirect.gather [hbm4b:s3+s9], $0x20, s18, s9, $0xb8;
	[tilespmem:$0x10800] =	vst v63  }
0x48: {  	s20 =	rddreg [dreg:$0x11]  }
0x49: {  	[tilespmem:s19], [sflag:$0x2] =	stream.indirect.gather [hbm4b:s3+s9], $0x20, s20, s9, $0xb8;
	[tilespmem:$0x10800] =	vst v63  }
0x4a: {  	_ =	swait.ge [sflag:s26], $0x1000  }
0x4b: {  	[sflag:s26] =	ssyncset.done $0x0  }
0x4c: {  	[sflag:s26] =	ssyncadd.s32 $0xFFFFF000  }
0x4d: {  	_ =	swait.ge [sflag:s26], $0x1000  }
0x4e: {  	[sflag:s26] =	ssyncset.done $0x0  }
0x4f: {  	[sflag:s26] =	ssyncadd.s32 $0xFFFFF000  }
0x50: {  	_ =	swait.ge [sflag:s26], $0x1000  }
0x51: {  	[sflag:s26] =	ssyncset.done $0x0  }
0x52: {  	[sflag:s26] =	ssyncadd.s32 $0xFFFFF000  }
0x53: {  	_ =	swait.ge [sflag:s26], $0x1000  }
0x54: {  	[sflag:s26] =	ssyncset.done $0x0  }
0x55: {  	[sflag:s26] =	ssyncadd.s32 $0xFFFFF000  }
0x56: {  	_ =	swait.ge [sflag:s26], $0x1000  }
0x57: {  	[sflag:s26] =	ssyncset.done $0x0  }
0x58: {  	[sflag:s26] =	ssyncadd.s32 $0xFFFFF000  }
0x59: {  	_ =	swait.ge [sflag:s26], $0x1000  }
0x5a: {  	[sflag:s26] =	ssyncset.done $0x0  }
0x5b: {  	[sflag:s26] =	ssyncadd.s32 $0xFFFFF000  }
0x5c: {  	_ =	swait.ge [sflag:s26], $0x1000  }
0x5d: {  	[sflag:s26] =	ssyncset.done $0x0  }
0x5e: {  	[sflag:s26] =	ssyncadd.s32 $0xFFFFF000  }
0x5f: {  	_ =	swait.ge [sflag:s26], $0x1000  }
0x60: {  	p0 =	por $0x0, $0x0;
	s21 =	rddreg [dreg:$0x3];
	[sflag:s26] =	ssyncset.done $0x0  }
0x61: {  	s1 =	simm.s32 @!p0 $0x3;
	[sflag:s26] =	ssyncadd.s32 $0xFFFFF000;
	s0 =	sadd.s32 $0x0, s21  }
0x62: {  	[hbm4b:s0+s2] =	stream.linear.scatter [tilespmem:s10], [sflag:$0x3], $0x8000, $0x38;
	[tilespmem:$0x10800] =	vst v63  }
0x63: {  	_ =	swait.ge @!p0 [sflag:s1], $0x8000  }
0x64: {  	[sflag:s1] =	ssyncset.done @!p0 $0x0  }
0x65: {  	s0 =	simm.s32 @!p0 $0x0;
	[sflag:s1] =	ssyncadd.s32 @!p0 $0xFFFF8000;
	s1 =	simm.s32 @!p0 $0x5  }
0x66: {  	[tilespmem:s0], [sflag:$0x5] =	stream.linear.gather @!p0 [hbm4b:s12+s0], $0x400, $0x38;
	[tilespmem:$0x10800] =	vst v63  }
0x67: {  	_ =	swait.ge @!p0 [sflag:s1], $0x400  }
0x68: {  	[sflag:s1] =	ssyncset.done @!p0 $0x0  }
0x69: {  	s6 =	simm.s32 @!p0 $0x80;
	s11 =	simm.s32 @!p0 $0x800;
	[sflag:s1] =	ssyncadd.s32 @!p0 $0xFFFFFC00  }
0x6a: {  	[tilespmem:s11], [sflag:$0x1] =	stream.indirect.gather @!p0 [hbm4b:s3+s6], $0x20, s0, s6, $0xb8;
	[tilespmem:$0x10800] =	vst v63  }
0x6b: {  	s0 =	simm.s32 @!p0 $0x1800  }
0x6c: {  	[tilespmem:s0], [sflag:$0x1] =	stream.indirect.gather @!p0 [hbm4b:s3+s6], $0x20, s6, s6, $0xb8;
	[tilespmem:$0x10800] =	vst v63  }
0x6d: {  	s1 =	simm.s32 @!p0 $0x2800;
	s0 =	simm.s32 @!p0 $0x100  }
0x6e: {  	[tilespmem:s1], [sflag:$0x1] =	stream.indirect.gather @!p0 [hbm4b:s3+s6], $0x20, s0, s6, $0xb8;
	[tilespmem:$0x10800] =	vst v63  }
0x6f: {  	s0 =	simm.s32 @!p0 $0x180;
	s1 =	simm.s32 @!p0 $0x3800  }
0x70: {  	[tilespmem:s1], [sflag:$0x1] =	stream.indirect.gather @!p0 [hbm4b:s3+s6], $0x20, s0, s6, $0xb8;
	[tilespmem:$0x10800] =	vst v63  }
0x71: {  	s0 =	simm.s32 @!p0 $0x200;
	s1 =	simm.s32 @!p0 $0x4800  }
0x72: {  	[tilespmem:s1], [sflag:$0x1] =	stream.indirect.gather @!p0 [hbm4b:s3+s6], $0x20, s0, s6, $0xb8;
	[tilespmem:$0x10800] =	vst v63  }
0x73: {  	s0 =	simm.s32 @!p0 $0x280;
	s1 =	simm.s32 @!p0 $0x5800  }
0x74: {  	[tilespmem:s1], [sflag:$0x1] =	stream.indirect.gather @!p0 [hbm4b:s3+s6], $0x20, s0, s6, $0xb8;
	[tilespmem:$0x10800] =	vst v63  }
0x75: {  	s0 =	simm.s32 @!p0 $0x300;
	s1 =	simm.s32 @!p0 $0x6800  }
0x76: {  	[tilespmem:s1], [sflag:$0x1] =	stream.indirect.gather @!p0 [hbm4b:s3+s6], $0x20, s0, s6, $0xb8;
	[tilespmem:$0x10800] =	vst v63  }
0x77: {  	s0 =	simm.s32 @!p0 $0x380;
	s1 =	simm.s32 @!p0 $0x7800  }
0x78: {  	[tilespmem:s1], [sflag:$0x1] =	stream.indirect.gather @!p0 [hbm4b:s3+s6], $0x20, s0, s6, $0xb8;
	[tilespmem:$0x10800] =	vst v63  }
0x79: {  	_ =	swait.ge [sflag:s28], $0x1000  }
0x7a: {  	[sflag:s28] =	ssyncset.done $0x0  }
0x7b: {  	[sflag:s28] =	ssyncadd.s32 $0xFFFFF000  }
0x7c: {  	_ =	swait.ge [sflag:s28], $0x1000  }
0x7d: {  	[sflag:s28] =	ssyncset.done $0x0  }
0x7e: {  	[sflag:s28] =	ssyncadd.s32 $0xFFFFF000  }
0x7f: {  	_ =	swait.ge [sflag:s28], $0x1000  }
0x80: {  	[sflag:s28] =	ssyncset.done $0x0  }
0x81: {  	[sflag:s28] =	ssyncadd.s32 $0xFFFFF000  }
0x82: {  	_ =	swait.ge [sflag:s28], $0x1000  }
0x83: {  	[sflag:s28] =	ssyncset.done $0x0  }
0x84: {  	[sflag:s28] =	ssyncadd.s32 $0xFFFFF000  }
0x85: {  	_ =	swait.ge [sflag:s28], $0x1000  }
0x86: {  	[sflag:s28] =	ssyncset.done $0x0  }
0x87: {  	[sflag:s28] =	ssyncadd.s32 $0xFFFFF000  }
0x88: {  	_ =	swait.ge [sflag:s28], $0x1000  }
0x89: {  	[sflag:s28] =	ssyncset.done $0x0  }
0x8a: {  	s11 =	sadd.s32 $0x100, s7;
	s1 =	simm.s32 $0x2000;
	[sflag:s28] =	ssyncadd.s32 $0xFFFFF000  }
0x8b: {  	s6 =	smov.u32 s12;
	s0 =	simm.s32 $0x0;
	_ =	swait.ge [sflag:s28], $0x1000  }
.LBB2_2:
0x8c: {  	[sflag:s28] =	ssyncset.done $0x0  }
0x8d: {  	[sflag:s28] =	ssyncadd.s32 $0xFFFFF000  }
0x8e: {  	s13 =	smov.u32 s1;
	_ =	swait.ge [sflag:s28], $0x1000  }
0x8f: {  	p1 =	seq.s32 s13, $0x0;
	[sflag:s28] =	ssyncset.done $0x0;
	s14 =	rddreg [dreg:$0x4]  }
0x90: {  	s15 =	simm.s32 @!p1 $0x4;
	[sflag:s28] =	ssyncadd.s32 $0xFFFFF000;
	s14 =	sadd.s32 s0, s14  }
0x91: {  	[hbm4b:s14+s2] =	stream.linear.scatter [tilespmem:s25], [sflag:$0x4], $0x8000, $0x38;
	[tilespmem:$0x10800] =	vst v63  }
0x92: {  	_ =	swait.ge @!p1 [sflag:s15], $0x8000  }
0x93: {  	[sflag:s15] =	ssyncset.done @!p1 $0x0  }
0x94: {  	[sflag:s15] =	ssyncadd.s32 @!p1 $0xFFFF8000  }
0x95: {  	[tilespmem:s24], [sflag:$0x5] =	stream.linear.gather [hbm4b:s11+s2], $0x400, $0x38;
	[tilespmem:$0x10800] =	vst v63  }
0x96: {  	_ =	swait.ge [sflag:s8], $0x400  }
0x97: {  	s0 =	smov.u32 s13;
	s13 =	rddreg [dreg:$0x12]  }
0x98: {  	s14 =	rddreg [dreg:$0x10]  }
0x99: {  	s15 =	rddreg [dreg:$0xe]  }
0x9a: {  	s16 =	rddreg [dreg:$0xc]  }
0x9b: {  	s17 =	rddreg [dreg:$0x9]  }
0x9c: {  	[sflag:s8] =	ssyncset.done $0x0;
	s18 =	rddreg [dreg:$0x7]  }
0x9d: {  	s19 =	rddreg [dreg:$0x5];
	[sflag:s8] =	ssyncadd.s32 $0xFFFFFC00  }
0x9e: {  	[tilespmem:s25], [sflag:$0x2] =	stream.indirect.gather [hbm4b:s3+s9], $0x20, s24, s9, $0xb8;
	[tilespmem:$0x10800] =	vst v63  }
0x9f: {  	s20 =	rddreg [dreg:$0x6]  }
0xa0: {  	[tilespmem:s20], [sflag:$0x2] =	stream.indirect.gather [hbm4b:s3+s9], $0x20, s19, s9, $0xb8;
	[tilespmem:$0x10800] =	vst v63  }
0xa1: {  	s21 =	rddreg [dreg:$0x8]  }
0xa2: {  	[tilespmem:s21], [sflag:$0x2] =	stream.indirect.gather [hbm4b:s3+s9], $0x20, s18, s9, $0xb8;
	[tilespmem:$0x10800] =	vst v63  }
0xa3: {  	s19 =	rddreg [dreg:$0xa]  }
0xa4: {  	[tilespmem:s19], [sflag:$0x2] =	stream.indirect.gather [hbm4b:s3+s9], $0x20, s17, s9, $0xb8;
	[tilespmem:$0x10800] =	vst v63  }
0xa5: {  	s20 =	rddreg [dreg:$0xb]  }
0xa6: {  	[tilespmem:s16], [sflag:$0x2] =	stream.indirect.gather [hbm4b:s3+s9], $0x20, s20, s9, $0xb8;
	[tilespmem:$0x10800] =	vst v63  }
0xa7: {  	s21 =	rddreg [dreg:$0xd]  }
0xa8: {  	[tilespmem:s15], [sflag:$0x2] =	stream.indirect.gather [hbm4b:s3+s9], $0x20, s21, s9, $0xb8;
	[tilespmem:$0x10800] =	vst v63  }
0xa9: {  	s19 =	rddreg [dreg:$0xf]  }
0xaa: {  	[tilespmem:s14], [sflag:$0x2] =	stream.indirect.gather [hbm4b:s3+s9], $0x20, s19, s9, $0xb8;
	[tilespmem:$0x10800] =	vst v63  }
0xab: {  	s20 =	rddreg [dreg:$0x11]  }
0xac: {  	[tilespmem:s13], [sflag:$0x2] =	stream.indirect.gather [hbm4b:s3+s9], $0x20, s20, s9, $0xb8;
	[tilespmem:$0x10800] =	vst v63  }
0xad: {  	_ =	swait.ge [sflag:s26], $0x1000  }
0xae: {  	[sflag:s26] =	ssyncset.done $0x0  }
0xaf: {  	[sflag:s26] =	ssyncadd.s32 $0xFFFFF000  }
0xb0: {  	_ =	swait.ge [sflag:s26], $0x1000  }
0xb1: {  	[sflag:s26] =	ssyncset.done $0x0  }
0xb2: {  	[sflag:s26] =	ssyncadd.s32 $0xFFFFF000  }
0xb3: {  	_ =	swait.ge [sflag:s26], $0x1000  }
0xb4: {  	[sflag:s26] =	ssyncset.done $0x0  }
0xb5: {  	[sflag:s26] =	ssyncadd.s32 $0xFFFFF000  }
0xb6: {  	_ =	swait.ge [sflag:s26], $0x1000  }
0xb7: {  	[sflag:s26] =	ssyncset.done $0x0  }
0xb8: {  	[sflag:s26] =	ssyncadd.s32 $0xFFFFF000  }
0xb9: {  	_ =	swait.ge [sflag:s26], $0x1000  }
0xba: {  	[sflag:s26] =	ssyncset.done $0x0  }
0xbb: {  	[sflag:s26] =	ssyncadd.s32 $0xFFFFF000  }
0xbc: {  	_ =	swait.ge [sflag:s26], $0x1000  }
0xbd: {  	[sflag:s26] =	ssyncset.done $0x0  }
0xbe: {  	[sflag:s26] =	ssyncadd.s32 $0xFFFFF000  }
0xbf: {  	_ =	swait.ge [sflag:s26], $0x1000  }
0xc0: {  	[sflag:s26] =	ssyncset.done $0x0  }
0xc1: {  	[sflag:s26] =	ssyncadd.s32 $0xFFFFF000  }
0xc2: {  	_ =	swait.ge [sflag:s26], $0x1000  }
0xc3: {  	p1 =	seq.s32 s0, $0x62000;
	s21 =	rddreg [dreg:$0x3];
	[sflag:s26] =	ssyncset.done $0x0  }
0xc4: {  	s14 =	simm.s32 @!p1 $0x3;
	[sflag:s26] =	ssyncadd.s32 $0xFFFFF000;
	s13 =	sadd.s32 s0, s21  }
0xc5: {  	[hbm4b:s13+s2] =	stream.linear.scatter [tilespmem:s10], [sflag:$0x3], $0x8000, $0x38;
	[tilespmem:$0x10800] =	vst v63  }
0xc6: {  	_ =	swait.ge @!p1 [sflag:s14], $0x8000  }
0xc7: {  	s6 =	sadd.s32 $0x100, s6;
	[sflag:s14] =	ssyncset.done @!p1 $0x0  }
0xc8: {  	s13 =	simm.s32 @!p1 $0x0;
	[sflag:s14] =	ssyncadd.s32 @!p1 $0xFFFF8000;
	s14 =	simm.s32 @!p1 $0x5  }
0xc9: {  	[tilespmem:s13], [sflag:$0x5] =	stream.linear.gather @!p1 [hbm4b:s6+s13], $0x400, $0x38;
	[tilespmem:$0x10800] =	vst v63  }
0xca: {  	_ =	swait.ge @!p1 [sflag:s14], $0x400  }
0xcb: {  	[sflag:s14] =	ssyncset.done @!p1 $0x0  }
0xcc: {  	s16 =	simm.s32 @!p1 $0x800;
	s15 =	simm.s32 @!p1 $0x80;
	[sflag:s14] =	ssyncadd.s32 @!p1 $0xFFFFFC00  }
0xcd: {  	[tilespmem:s16], [sflag:$0x1] =	stream.indirect.gather @!p1 [hbm4b:s3+s15], $0x20, s13, s15, $0xb8;
	[tilespmem:$0x10800] =	vst v63  }
0xce: {  	s14 =	simm.s32 @!p1 $0x1800  }
0xcf: {  	[tilespmem:s14], [sflag:$0x1] =	stream.indirect.gather @!p1 [hbm4b:s3+s15], $0x20, s15, s15, $0xb8;
	[tilespmem:$0x10800] =	vst v63  }
0xd0: {  	s13 =	simm.s32 @!p1 $0x100;
	s16 =	simm.s32 @!p1 $0x2800  }
0xd1: {  	[tilespmem:s16], [sflag:$0x1] =	stream.indirect.gather @!p1 [hbm4b:s3+s15], $0x20, s13, s15, $0xb8;
	[tilespmem:$0x10800] =	vst v63  }
0xd2: {  	s17 =	simm.s32 @!p1 $0x3800;
	s14 =	simm.s32 @!p1 $0x180  }
0xd3: {  	[tilespmem:s17], [sflag:$0x1] =	stream.indirect.gather @!p1 [hbm4b:s3+s15], $0x20, s14, s15, $0xb8;
	[tilespmem:$0x10800] =	vst v63  }
0xd4: {  	s13 =	simm.s32 @!p1 $0x200;
	s16 =	simm.s32 @!p1 $0x4800  }
0xd5: {  	[tilespmem:s16], [sflag:$0x1] =	stream.indirect.gather @!p1 [hbm4b:s3+s15], $0x20, s13, s15, $0xb8;
	[tilespmem:$0x10800] =	vst v63  }
0xd6: {  	s14 =	simm.s32 @!p1 $0x280;
	s17 =	simm.s32 @!p1 $0x5800  }
0xd7: {  	[tilespmem:s17], [sflag:$0x1] =	stream.indirect.gather @!p1 [hbm4b:s3+s15], $0x20, s14, s15, $0xb8;
	[tilespmem:$0x10800] =	vst v63  }
0xd8: {  	s13 =	simm.s32 @!p1 $0x300;
	s14 =	simm.s32 @!p1 $0x6800  }
0xd9: {  	[tilespmem:s14], [sflag:$0x1] =	stream.indirect.gather @!p1 [hbm4b:s3+s15], $0x20, s13, s15, $0xb8;
	[tilespmem:$0x10800] =	vst v63  }
0xda: {  	s13 =	simm.s32 @!p1 $0x380;
	s14 =	simm.s32 @!p1 $0x7800  }
0xdb: {  	[tilespmem:s14], [sflag:$0x1] =	stream.indirect.gather @!p1 [hbm4b:s3+s15], $0x20, s13, s15, $0xb8;
	[tilespmem:$0x10800] =	vst v63  }
0xdc: {  	_ =	swait.ge [sflag:s28], $0x1000  }
0xdd: {  	[sflag:s28] =	ssyncset.done $0x0  }
0xde: {  	[sflag:s28] =	ssyncadd.s32 $0xFFFFF000  }
0xdf: {  	_ =	swait.ge [sflag:s28], $0x1000  }
0xe0: {  	[sflag:s28] =	ssyncset.done $0x0  }
0xe1: {  	[sflag:s28] =	ssyncadd.s32 $0xFFFFF000  }
0xe2: {  	_ =	swait.ge [sflag:s28], $0x1000  }
0xe3: {  	[sflag:s28] =	ssyncset.done $0x0  }
0xe4: {  	[sflag:s28] =	ssyncadd.s32 $0xFFFFF000  }
0xe5: {  	_ =	swait.ge [sflag:s28], $0x1000  }
0xe6: {  	[sflag:s28] =	ssyncset.done $0x0  }
0xe7: {  	[sflag:s28] =	ssyncadd.s32 $0xFFFFF000  }
0xe8: {  	s1 =	sadd.s32 $0x2000, s1;
	_ =	swait.ge [sflag:s28], $0x1000  }
0xe9: {  	p0 =	sne.s32 s1, $0x64000;
	[sflag:s28] =	ssyncset.done $0x0  }
.Ltmp0:
0xea: {  	[sflag:s28] =	ssyncadd.s32 $0xFFFFF000;
	(pc) =	sbr.rel @p0 .LBB2_2-.Ltmp0, $4  }
0xeb: {  	_ =	swait.ge [sflag:s28], $0x1000  }
0xec: {  	[sflag:s28] =	ssyncset.done $0x0  }
0xed: {  	[sflag:s28] =	ssyncadd.s32 $0xFFFFF000  }
0xee: {  	s11 =	sadd.s32 $0x100, s11;
	_ =	swait.ge [sflag:s28], $0x1000  }
0xef: {  	[sflag:s28] =	ssyncset.done $0x0  }
0xf0: {  	[sflag:s28] =	ssyncadd.s32 $0xFFFFF000  }
0xf1: {  	_ =	swait.ge [sflag:s28], $0x1000  }
0xf2: {  	s1 =	rddreg [dreg:$0x4];
	[sflag:s28] =	ssyncset.done $0x0  }
0xf3: {  	s31 =	sadd.s32 $0x1, s31;
	[sflag:s28] =	ssyncadd.s32 $0xFFFFF000;
	s0 =	sadd.s32 s0, s1  }
0xf4: {  	[hbm4b:s0+s2] =	stream.linear.scatter [tilespmem:s25], [sflag:$0x4], $0x8000, $0x38;
	[tilespmem:$0x10800] =	vst v63  }
0xf5: {  	p0 =	sne.s32 s31, s5;
	_ =	swait.ge [sflag:s29], $0x8000  }
.Ltmp1:
0xf6: {  	[sflag:s29] =	ssyncset.done $0x0;
	(pc) =	sbr.rel @p0 .LBB2_1-.Ltmp1, $4  }
0xf7: {  	[sflag:s29] =	ssyncadd.s32 $0xFFFF8000  }
0xf8: {  	_ =	swait.ge [sflag:s30], $0x8000  }
0xf9: {  	[sflag:s30] =	ssyncset.done $0x0  }
0xfa: {  	[sflag:s30] =	ssyncadd.s32 $0xFFFF8000  }
0xfb: {  	_ =	sfence.sel $0x180000  }
0xfc: {  	[bflag:$0x0] =	sbarrier.arrive $0xFFFF  }
0xfd: {  	_ =	strace $0x90000047  }
0xfe: {  	s0 =	stileid.u32;
	[bflag:$0x2] =	sbarrier.arrive $0xFFFF  }
0xff: {  	p0 =	sne.s32 s0, $0x0;
	s0 =	rddreg [dreg:$0x2]  }
0x100: {  	s0 =	sadd.s32 @!p0 $0x100000, s0  }
0x101: {  	[sflag:s0] =	ssyncadd.tile.s32 @!p0 $0x1;
	_ =	shalt  }
.Lfunc_end2:
_tile_overlayer_lowered:
.L_overlay_start_2:
0x102: {  	(tag) =	ssettag $0x2  }
0x103: {  	s0 =	rddreg [dreg:$0x0];
	s2 =	stileid.u32  }
0x104: {  	s1 =	rddreg [dreg:$0x1];
	p0 =	sne.s32 s2, $0x0  }
0x105: {  	s3 =	rddreg [dreg:$0x2];
	[bflag:$0x3] =	sbarrier.arrive $0xFFFF;
	s2 =	simm.s32 @!p0 $0x1C05  }
0x106: {  	[timem:s3], [sflag:s2] =	dma.local @!p0 [hbm:s0], s1  }
0x107: {  	s0 =	simm.s32 @!p0 $0x5  }
0x108: {  	_ =	swait.ge @!p0 [sflag:s0], s1  }
0x109: {  	s1 =	ssub.s32 @!p0 $0x0, s1;
	[sflag:s0] =	ssyncset.done @!p0 $0x0  }
0x10a: {  	[sflag:s0] =	ssyncadd.s32 @!p0 s1  }
0x10b: {  	[bflag:$0x3] =	sbarrier.arrive $0xFFFF  }
0x10c: {  	_ =	shalt  }

// kernel: sparse-core-data-format-call.cloned.1.call-start
scs
called_computation_lowered:
.L_overlay_start_0:
0x0: {  	s2 =	sld [smem:$0x3FD9]  }
0x1: {  	s3 =	sld [smem:$0x3FFE];
	_ =	sdelay $0x1  }
0x2: {  	s1 =	srdreg.scid  }
0x3: {  	s0 =	sand.u32 $0x1, s1  }
0x4: {  	s18 =	sshll.u32 s0, $0xA;
	s2 =	sadd.s32 s3, s2  }
0x5: {  	s2 =	sadd.s32 s2, s18  }
0x6: {  	[smem:$0x3FC6] =	sst s2  }
0x7: {  	_ = 	snop  }
0x8: {  	s2 =	sld [smem:$0x3FD0];
	(tm) =	ssettm $0x1  }
0x9: {  	s19 =	sld [smem:$0x3FFB];
	_ =	sdelay $0x3  }
0xa: {  	_ =	strace s19  }
0xb: {  	s3 =	sld [smem:$0x3FFC];
	_ =	sdelay $0x3  }
0xc: {  	_ =	strace s3  }
0xd: {  	s3 =	sld [smem:$0x3FFD];
	_ =	sdelay $0x3  }
0xe: {  	_ =	strace s3  }
0xf: {  	_ =	strace $0x8FFFFFFF  }
0x10: {  	s20 =	sld [smem:$0x3FDB];
	_ =	sdelay $0x1  }
0x11: {  	s4 =	simm.s32 $_scs_section_size  }
0x12: {  	s5 =	simm.s32 $_size__tile_overlayer_lowered;
	s6 =	simm.s32 $_tile_overlayer_lowered  }
0x13: {  	s23 =	simm.s32 $0x1BFF;
	s22 =	sshll.u32 s6, $0x1;
	s3 =	sadd.s32 s4, s20  }
0x14: {  	s7 =	simm.s32 $0x0;
	s21 =	sshll.u32 s5, $0x1;
	s5 =	sadd.s32 s22, s3  }
0x15: {  	[timem:s7], [sflag:s23] =	dma.local [hbm:s5], s21  }
0x16: {  	_ =	swait.ge [sflag:s23], s21  }
0x17: {  	s4 =	ssub.s32 $0x0, s21;
	[sflag:s23] =	ssyncset.done $0x0  }
0x18: {  	[sflag:s23] =	ssyncadd.s32 s4;
	_ =	sdelay $0x1  }
0x19: {  	s24 =	simm.s32 $0x1B8B  }
0x1a: {  	_ =	swait.ge [sflag:s24], $0x1  }
0x1b: {  	[sflag:s24] =	ssyncset.done $0x0  }
0x1c: {  	s26 =	simm.s32 $0x1B8E;
	s25 =	sld [smem:$0x3FFE];
	[sflag:s24] =	ssyncadd.s32 $0xFFFFFFFF  }
0x1d: {  	s27 =	simm.s32 $execute0_lowered;
	[smem:$0x3FD2] =	sst s26  }
0x1e: {  	s5 =	sshll.u32 s27, $0x1;
	_ =	strace $0x80000049;
	[dreg:$0x1] =	wrdreg $0xFFFFFFFF  }
0x1f: {  	s28 =	simm.s32 $_size_execute0_lowered;
	s3 =	sadd.s32 s3, s5;
	[dreg:$0x0] =	wrdreg $0x0  }
0x20: {  	s5 =	sshll.u32 s28, $0x1;
	[dreg:$0x2] =	wrdreg s3  }
0x21: {  	[dreg:$0x3] =	wrdreg s5  }
0x22: {  	[dreg:$0x4] =	wrdreg $0xC0  }
0x23: {  	_ =	task [dreg:s7], $0x5FFFF  }
0x24: {  	[dreg:$0x1] =	wrdreg $0xFFFFFFFF  }
0x25: {  	[dreg:$0x0] =	wrdreg $0x60  }
0x26: {  	[dreg:$0x2] =	wrdreg s25  }
0x27: {  	[dreg:$0x3] =	wrdreg s2  }
0x28: {  	[dreg:$0x4] =	wrdreg $0x9  }
0x29: {  	_ =	task.clear_ibuf [dreg:s7], $0x5FFFF;
	_ =	strace $0x90000049  }
0x2a: {  	s29 =	simm.s32 $0x9;
	_ =	strace $0x8000004B  }
0x2b: {  	_ =	swait.ge [sflag:s29], $0x1  }
0x2c: {  	[sflag:s29] =	ssyncadd.s32 $0xFFFFFFFF  }
0x2d: {  	_ =	strace $0x9000004B  }
0x2e: {  	_ =	sfence  }
0x2f: {  	s30 =	sld [smem:$0x0];
	_ =	sdelay $0x2  }
0x30: {  	s31 =	sshll.u32 s1, $0xD;
	s1 =	sshrl.u32 s1, $0x2  }
0x31: {  	s3 =	sand.u32 $0x4000, s31;
	s1 =	sadd.s32 s1, s30  }
0x32: {  	s0 =	sor.u32 s3, s0;
	s1 =	sshll.u32 s1, $0x11  }
0x33: {  	s0 =	sor.u32 s1, s0  }
0x34: {  	s0 =	sadd.s32 $0x8F2B, s0  }
0x35: {  	[sflag:s0] =	ssyncadd.remote.s32 $0x1  }
0x36: {  	_ =	sfence.sel $0xFFFF  }
0x37: {  	[dreg:$0x0] =	wrdreg $0xFFFFFFFF;
	(pc) =	sbr.abs _section_cstart, $3  }
0x38: {  	[dreg:$0x1] =	wrdreg $0xFFFFFFFF  }
0x39: {  	_ =	task.clear_ibuf [dreg:s7], $0x2FFFF;
	_ =	strace $0x9FFFFFFF  }
0x3a: {  	(tm) =	ssettm $0x7FFFFFFF  }
0x3b: {  	_ =	shalt  }
tec
execute0_lowered:
.L_overlay_start_1:
0x0: {  	(tag) =	ssettag $0x1  }
0x1: {  	s0 =	srdreg.scid  }
0x2: {  	s1 =	sshll.u32 s0, $0x4  }
0x3: {  	s0 =	stileid.u32;
	s1 =	sand.u32 $0x10, s1  }
0x4: {  	s1 =	sor.u32 s0, s1  }
0x5: {  	s6 =	rddreg [dreg:$0x0];
	s4 =	simm.s32 $0x1;
	s2 =	sshll.u32 s1, $0x7  }
0x6: {  	s7 =	simm.s32 $0x2;
	s12 =	simm.s32 $0x0;
	s1 =	ssub.s32 $0x4000, s2  }
0x7: {  	s8 =	simm.s32 $0x20000;
	s13 =	simm.s32 $0x0;
	s3 =	sand.u32 $0xF80, s1  }
0x8: {  	s9 =	simm.s32 $0x0;
	s5 =	sshrl.u32 s1, $0xC;
	p0 =	sne.s32 s3, $0x0  }
.Ltmp0:
0x9: {  	s1 =	rddreg [dreg:$0x2];
	s4 =	simm.s32 @!p0 $0x0;
	(pc) =	sbr.rel .LBB1_1-.Ltmp0, $4  }
0xa: {  	s11 =	simm.s32 $0x0;
	s3 =	rddreg [dreg:$0x1];
	s5 =	sadd.s32 s4, s5  }
0xb: {  	_ =	strace $0x8000004A;
	s4 =	simm.s32 $0x1;
	s5 =	smul.u32 $0xC8, s5  }
0xc: {  	s6 =	sadd.s32 $0x800, s6;
	s10 =	smov.u32 s2;
	[sflag:s4] =	ssyncpa.u1 $0x0  }
0xd: {  	p0 =	por $0x0, $0x0;
	[sflag:s7] =	ssyncpa.u1 $0x0;
	s7 =	sor.u32 $0x1, s5  }
.LBB1_4:
0xe: {  	s16 =	sshll.u32 s13, $0x3;
	s17 =	sand.u32 $0x78, s13  }
0xf: {  	s30 =	sand.u32 $0xF800, s13;
	s12 =	sshll.u32 s12, $0x10;
	s16 =	sand.u32 $0x3C00, s16  }
0x10: {  	s31 =	sand.u32 $0x7, s13;
	s16 =	sor.u32 s17, s16;
	s17 =	sadd.s32 s3, s30  }
0x11: {  	s13 =	sshll.u32 s31, $0x12;
	s16 =	sshrl.u32 s16, $0x3;
	s12 =	sadd.s32 s12, s17  }
0x12: {  	[tilespmem:s15+$0x0 ss:$0x81] =	vst.msk $0xffff, v0;
	s13 =	sor.u32 $0x400, s13;
	s12 =	sadd.s32 s16, s12  }
0x13: {  	[hbm4b:s12+s13] =	stream.strided.scatter [tilespmem:s14], [sflag:$0x2], $0x1000, s8, s13, $0x20;
	[tilespmem:$0x4040] =	vst v63  }
.LBB1_5:
0x14: {  	s14 =	sadd.s32 $0x1, s9  }
0x15: {  	s12 =	sadd.s32 $0x1000, s10;
	s16 =	smov.u32 s10;
	p2 =	sgt.s32 s14, $0xC7  }
0x16: {  	s16 =	smov.u32 @p2 s12  }
0x17: {  	s14 =	simm.s32 @p2 $0x0;
	p2 =	sgt.s32 s16, $0x3FFF  }
0x18: {  	s16 =	smov.u32 @p2 s2;
	p2 =	sne.s32 s11, s7  }
.Ltmp1:
0x19: {  	p1 =	slt.u32 s11, $0x2;
	(pc) =	sbr.rel @!p2 .LBB1_6-.Ltmp1, $4  }
0x1a: {  	s15 =	simm.s32 @!p1 $0x2  }
0x1b: {  	s13 =	smov.u32 s10;
	p0 =	por !p0, !p0;
	_ =	swait.ge @!p1 [sflag:s15], $0x1000  }
0x1c: {  	s12 =	smov.u32 s9;
	[sflag:s15] =	ssyncset.done @!p1 $0x0;
	s9 =	smov.u32 s14  }
0x1d: {  	s11 =	sadd.s32 $0x1, s11;
	[sflag:s15] =	ssyncadd.s32 @!p1 $0xFFFFF000;
	s10 =	smov.u32 s16  }
.LBB1_1:
0x1e: {  	p1 =	sge.u32 s11, s5  }
0x1f: {  	s14 =	sand.u32 @!p1 $0x1FFFFFF, s9  }
0x20: {  	s15 =	smulhi.u32 @!p1 $0x147AE15, s14;
	_ =	sdelay $0x1  }
0x21: {  	s15 =	smul.u32 @!p1 $0xC8, s15  }
0x22: {  	s16 =	sxor.u32 @!p1 $0xFFFFFFFF, s11;
	s17 =	smul.u32 @!p1 $0xC80, s10  }
0x23: {  	s31 =	sadd.s32 $0xFFFFFFFF, s11;
	s16 =	sshll.u32 @!p1 s16, $0xC;
	s14 =	ssub.s32 @!p1 s14, s15  }
0x24: {  	s15 =	sand.u32 @!p1 $0x1000, s16;
	s16 =	sadd.s32 @!p1 s6, s17;
	s14 =	sshll.u32 @!p1 s14, $0x4  }
0x25: {  	s17 =	simm.s32 @!p1 $0x6400;
	s14 =	sadd.s32 @!p1 s14, s16;
	s16 =	simm.s32 @!p1 $0x20  }
0x26: {  	[tilespmem:s15], [sflag:$0x1] =	stream.strided.gather @!p1 [hbm4b:s14+s16], $0x1000, s17, s16, $0x38;
	[tilespmem:$0x4040] =	vst v63  }
0x27: {  	p1 =	sge.u32 s31, s5  }
.Ltmp2:
0x28: {  	_ = 	snop;
	(pc) =	sbr.rel @p1 .LBB1_5-.Ltmp2, $1  }
0x29: {  	_ =	sdelay $0x3  }
0x2a: {  	s14 =	simm.s32 $0x1  }
0x2b: {  	_ =	swait.ge [sflag:s4], $0x1000;
	s14 =	simm.s32 @!p0 $0x0  }
0x2c: {  	[sflag:s4] =	ssyncset.done $0x0;
	s15 =	sshll.u32 s14, $0xC  }
0x2d: {  	[sflag:s4] =	ssyncadd.s32 $0xFFFFF000;
	s18 =	sor.u32 $0x10, s15  }
0x2e: {  	s14 =	smul.u32 $0x4080, s14;
	v1 =	vld [tilespmem:s18+$0x0]  }
0x2f: {  	s30 =	sand.u32 $0x1, s11;
	v0 =	vld [tilespmem:s18+$0xFFFFFFF0]  }
0x30: {  	s15 =	smul.u32 $0x4080, s30;
	s14 =	sshrl.u32 s14, $0x2  }
0x31: {  	s16 =	sor.u32 $0x2000, s14  }
0x32: {  	s31 =	sshrl.u32 s15, $0x2;
	s15 =	sadd.s32 $0x0, s16  }
0x33: {  	s17 =	simm.s32 $0x4;
	s18 =	sadd.s32 $0x20, s18;
	s14 =	sor.u32 $0x2000, s31;
	[tilespmem:s15+$0x810 ss:$0x81] =	vst.msk $0xffff, v1  }
.LBB1_3:
0x34: {  	v1 =	vld [tilespmem:s18+$0x0];
	p1 =	sne.s32 s17, $0x1FC;
	[tilespmem:s15+$0x0 ss:$0x81] =	vst.msk $0xffff, v0;
	s15 =	smov.u32 s17;
	s17 =	sadd.s32 $0x4, s17  }
.Ltmp3:
0x35: {  	v0 =	vld [tilespmem:s18+$0xFFFFFFF0];
	(pc) =	sbr.rel @p1 .LBB1_3-.Ltmp3, $4  }
0x36: {  	_ = 	snop  }
0x37: {  	s15 =	sshra.s32 s15, $0x2  }
0x38: {  	s15 =	sadd.s32 s15, s16  }
0x39: {  	s18 =	sadd.s32 $0x20, s18;
	[tilespmem:s15+$0x810 ss:$0x81] =	vst.msk $0xffff, v1  }
.Ltmp4:
0x3a: {  	_ = 	snop;
	(pc) =	sbr.rel .LBB1_4-.Ltmp4, $1  }
0x3b: {  	_ =	sdelay $0x3  }
.LBB1_6:
0x3c: {  	_ =	sfence.sel $0x180000  }
0x3d: {  	s2 =	simm.s32 $0x1;
	[bflag:$0x0] =	sbarrier.arrive $0xFFFF  }
0x3e: {  	s31 =	simm.s32 $0x2;
	[sflag:s2] =	ssyncpa.u1 $0x1  }
0x3f: {  	[sflag:s31] =	ssyncpa.u1 $0x1  }
0x40: {  	p0 =	sne.s32 s0, $0x0;
	_ =	strace $0x9000004A  }
0x41: {  	s0 =	sadd.s32 @!p0 $0x100000, s1;
	[bflag:$0x2] =	sbarrier.arrive $0xFFFF  }
0x42: {  	[sflag:s0] =	ssyncadd.tile.s32 @!p0 $0x1;
	_ =	shalt  }
.Lfunc_end1:
_tile_overlayer_lowered:
.L_overlay_start_2:
0x43: {  	(tag) =	ssettag $0x2  }
0x44: {  	s0 =	rddreg [dreg:$0x0];
	s2 =	stileid.u32  }
0x45: {  	s1 =	rddreg [dreg:$0x1];
	p0 =	sne.s32 s2, $0x0  }
0x46: {  	s3 =	rddreg [dreg:$0x2];
	[bflag:$0x3] =	sbarrier.arrive $0xFFFF;
	s2 =	simm.s32 @!p0 $0x1C01  }
0x47: {  	[timem:s3], [sflag:s2] =	dma.local @!p0 [hbm:s0], s1  }
0x48: {  	s0 =	simm.s32 @!p0 $0x1  }
0x49: {  	_ =	swait.ge @!p0 [sflag:s0], s1  }
0x4a: {  	s1 =	ssub.s32 @!p0 $0x0, s1;
	[sflag:s0] =	ssyncset.done @!p0 $0x0  }
0x4b: {  	[sflag:s0] =	ssyncadd.s32 @!p0 s1  }
0x4c: {  	[bflag:$0x3] =	sbarrier.arrive $0xFFFF  }
0x4d: {  	_ =	shalt  }

</sc_bundles>
